<compile_context>
chip_gen: v7x
topology: tpu7x:2x2x1
jax: 0.10.2.dev20260603
libtpu: 0.0.44.dev20260713+nightly
codegen_flags: <defaults>
</compile_context>

<pallas_src>
import dataclasses
import functools

import jax
import jax.numpy as jnp
from jax import lax
from jax.experimental import pallas as pl
from jax.experimental.pallas import tpu as pltpu
from jax.experimental.pallas import tpu_sc as plsc

N_VERTS = 1000000
N_MAPS = 500000
PV = 1 << 20
NC = 2
NS = 16
NW = NC * NS
L = 16
ROWS = PV // 2
VB = 4096
VPS = PV // NS
PCH = VPS // VB
CHUNK = 128
CPW = 128
SLAB = CHUNK * CPW
M_PAD = SLAB * NW
NBUF = 2


def _compiler_params():
    cp = pltpu.CompilerParams()
    if "needs_layout_passes" in pltpu.CompilerParams.__dataclass_fields__:
        cp = dataclasses.replace(cp, needs_layout_passes=False)
    if "use_tc_tiling_on_sc" in pltpu.CompilerParams.__dataclass_fields__:
        cp = dataclasses.replace(cp, use_tc_tiling_on_sc=False)
    return cp


def _sc_loss_parts(planes, fidx, tidx):
    mesh = plsc.VectorSubcoreMesh(core_axis_name="c", subcore_axis_name="s")

    @functools.partial(
        pl.kernel,
        mesh=mesh,
        compiler_params=_compiler_params(),
        out_type=(
            jax.ShapeDtypeStruct((NW, L), jnp.float32),
            jax.ShapeDtypeStruct((NC, ROWS, 8), jnp.float32),
        ),
        scratch_types=[
            pltpu.VMEM((SLAB,), jnp.int32),
            pltpu.VMEM((SLAB,), jnp.int32),
            pltpu.VMEM((CHUNK,), jnp.int32),
            pltpu.VMEM((CHUNK,), jnp.int32),
            pltpu.VMEM((CHUNK,), jnp.int32),
            pltpu.VMEM((CHUNK,), jnp.int32),
            pltpu.VMEM((CHUNK, 8), jnp.float32),
            pltpu.VMEM((CHUNK, 8), jnp.float32),
            pltpu.VMEM((CHUNK, 8), jnp.float32),
            pltpu.VMEM((CHUNK, 8), jnp.float32),
            pltpu.VMEM((3, VB), jnp.float32),
            pltpu.VMEM((3, VB), jnp.float32),
            pltpu.VMEM((VB // 2, 8), jnp.float32),
            pltpu.VMEM((VB // 2, 8), jnp.float32),
            pltpu.VMEM((L,), jnp.float32),
            pltpu.SemaphoreType.DMA,
            pltpu.SemaphoreType.DMA,
            pltpu.SemaphoreType.DMA,
            pltpu.SemaphoreType.DMA,
            pltpu.SemaphoreType.DMA,
            pltpu.SemaphoreType.DMA,
            pltpu.SemaphoreType.DMA,
        ],
    )
    def k(pl_hbm, f_hbm, t_hbm, out_hbm, tab_hbm, fi_v, ti_v,
          fs0, fs1, ts0, ts1, fr_v0, fr_v1, tr_v0, tr_v1,
          pin0, pin1, po0, po1, acc_v,
          sem_i, sem_g0, sem_g1, sem_p0, sem_p1, sem_o0, sem_o1):
        cid = lax.axis_index("c")
        sid = lax.axis_index("s")
        wid = sid * NC + cid
        base = wid * SLAB
        gsems = (sem_g0, sem_g1)
        psems = (sem_p0, sem_p1)
        osems = (sem_o0, sem_o1)
        fss = (fs0, fs1)
        tss = (ts0, ts1)
        frs = (fr_v0, fr_v1)
        trs = (tr_v0, tr_v1)
        pins = (pin0, pin1)
        pos = (po0, po1)
        acc_v[...] = jnp.zeros((L,), jnp.float32)
        rows16 = lax.iota(jnp.int32, 16)
        mytab = tab_hbm.at[cid]

        pltpu.async_copy(f_hbm.at[pl.ds(base, SLAB)], fi_v, sem_i)
        pltpu.async_copy(t_hbm.at[pl.ds(base, SLAB)], ti_v, sem_i)

        vbase = sid * VPS

        def p1_issue_in(p, slot):
            v0 = vbase + p * VB
            for comp in range(3):
                pltpu.async_copy(
                    pl_hbm.at[pl.ds(comp * PV + v0, VB)],
                    pins[slot].at[comp], psems[slot])

        def p1_drain_in(slot):
            for comp in range(3):
                pltpu.make_async_copy(
                    pl_hbm.at[pl.ds(0, VB)], pins[slot].at[comp],
                    psems[slot]).wait()

        def p1_drain_out(slot):
            pltpu.make_async_copy(
                pos[slot], mytab.at[pl.ds(0, VB // 2)], osems[slot]).wait()

        rp = jnp.right_shift(rows16, 1)
        cp = jnp.bitwise_and(rows16, 1)

        p1_issue_in(0, 0)
        p1_issue_in(1, 1)

        @pl.loop(0, PCH, step=NBUF)
        def _(p):
            for b in range(NBUF):
                step = p + b
                p1_drain_in(b)

                @pl.when(step >= NBUF)
                def _():
                    p1_drain_out(b)

                pin = pins[b]
                po = pos[b]

                @pl.loop(0, VB, step=L)
                def _(g):
                    xv = pin[0, pl.ds(g, L)]
                    yv = pin[1, pl.ds(g, L)]
                    zv = pin[2, pl.ds(g, L)]
                    rr = rp + jnp.right_shift(g, 1)
                    plsc.store_scatter(po, [rr, cp], xv)
                    plsc.store_scatter(po, [rr, cp + 2], yv)
                    plsc.store_scatter(po, [rr, cp + 4], zv)
                row0 = (vbase + step * VB) // 2
                pltpu.async_copy(
                    po, mytab.at[pl.ds(row0, VB // 2)], osems[b])

                @pl.when(step + NBUF < PCH)
                def _():
                    p1_issue_in(step + NBUF, b)

        p1_drain_out(0)
        p1_drain_out(1)
        plsc.subcore_barrier()

        pltpu.make_async_copy(f_hbm.at[pl.ds(base, SLAB)], fi_v, sem_i).wait()
        pltpu.make_async_copy(t_hbm.at[pl.ds(base, SLAB)], ti_v, sem_i).wait()

        def stage_issue(chunk, slot):
            off = chunk * CHUNK

            @pl.loop(0, CHUNK, step=L)
            def _(g):
                fss[slot][pl.ds(g, L)] = jnp.right_shift(
                    fi_v[pl.ds(off + g, L)], 1)
                tss[slot][pl.ds(g, L)] = jnp.right_shift(
                    ti_v[pl.ds(off + g, L)], 1)
            pltpu.async_copy(mytab.at[fss[slot]], frs[slot], gsems[slot])
            pltpu.async_copy(mytab.at[tss[slot]], trs[slot], gsems[slot])

        def drain(slot):
            pltpu.make_async_copy(
                mytab.at[fss[slot]], frs[slot], gsems[slot]).wait()
            pltpu.make_async_copy(
                mytab.at[tss[slot]], trs[slot], gsems[slot]).wait()

        stage_issue(0, 0)
        stage_issue(1, 1)

        @pl.loop(0, CPW, step=NBUF)
        def _(j):
            for b in range(NBUF):
                chunk = j + b
                drain(b)
                fr = frs[b]
                tr = trs[b]
                off = chunk * CHUNK

                @pl.loop(0, CHUNK, step=L)
                def _(r):
                    ridx = rows16 + r
                    mf = jnp.bitwise_and(fi_v[pl.ds(off + r, L)], 1)
                    mt = jnp.bitwise_and(ti_v[pl.ds(off + r, L)], 1)
                    xf = plsc.load_gather(fr, [ridx, mf])
                    yf = plsc.load_gather(fr, [ridx, mf + 2])
                    zf = plsc.load_gather(fr, [ridx, mf + 4])
                    xt = plsc.load_gather(tr, [ridx, mt])
                    yt = plsc.load_gather(tr, [ridx, mt + 2])
                    zt = plsc.load_gather(tr, [ridx, mt + 4])
                    sx = xt + xf
                    sy = yt - yf
                    sz = zt - zf
                    ss = sx * sx + sy * sy + sz * sz
                    ss = jnp.maximum(ss, 1e-30)
                    bits = plsc.bitcast(ss, jnp.int32)
                    bits = 0x5F3759DF - jnp.right_shift(bits, 1)
                    y = plsc.bitcast(bits, jnp.float32)
                    for _ in range(2):
                        y = y * (1.5 - 0.5 * ss * y * y)
                    acc_v[...] = acc_v[...] + ss * y

                @pl.when(chunk + NBUF < CPW)
                def _():
                    stage_issue(chunk + NBUF, b)

        pltpu.async_copy(acc_v, out_hbm.at[wid], sem_i).wait()

    return k(planes, fidx, tidx)


def kernel(vt, mapping_table):
    planes = jnp.pad(vt.T, ((0, 0), (0, PV - N_VERTS))).reshape(3 * PV)
    pad = jnp.full((M_PAD - N_MAPS,), N_VERTS, jnp.int32)
    fidx = jnp.concatenate([mapping_table[:, 0], pad])
    tidx = jnp.concatenate([mapping_table[:, 1], pad])
    parts, _ = _sc_loss_parts(planes, fidx, tidx)
    return jnp.sum(parts) / N_MAPS

# --- scband reference (transcript-rebuilt; emitter-appended) ---
"""Pipeline reference for scband-symmetric-loss-77506979823875 (READ-ONLY COPY).

The authoritative reference and input builder live on the scoring server;
editing this copy changes nothing except your own understanding.
"""

import jax, jax.numpy as jnp
import numpy as np

N_VERTS = 1000000
N_MAPS = 500000

def setup_inputs(seed: int = 0) -> dict:
    key = jax.random.key(seed)
    k1, k2 = jax.random.split(key)
    vt = jax.random.normal(k1, (N_VERTS, 3), dtype=jnp.float32)
    mapping_table = jax.random.randint(k2, (N_MAPS, 2), 0, N_VERTS, dtype=jnp.int32)
    return {"vt": vt, "mapping_table": mapping_table}

def reference(vt, mapping_table):
    # Faithful vectorization of the per-mapping python loop in SymmetricLoss.forward.
    vt_flat = vt.reshape(-1, 3)
    map_from = mapping_table[:, 0]
    map_to = mapping_table[:, 1]
    v_from = jnp.take(vt_flat, map_from, axis=0)  # gather [M, 3]
    v_to = jnp.take(vt_flat, map_to, axis=0)      # gather [M, 3]
    # symmetric distance: x mirrored (sum), y/z matched (diff)
    distance = jnp.sqrt(
        (v_to[:, 0] + v_from[:, 0]) ** 2
        + (v_to[:, 1] - v_from[:, 1]) ** 2
        + (v_to[:, 2] - v_from[:, 2]) ** 2
    )
    mapping_size = mapping_table.shape[0]
    loss = jnp.sum(distance) / mapping_size
    return loss

if __name__ == "__main__":
    import jax
    _d = setup_inputs()
    print(jax.jit(kernel)(*tuple(_d.values())))

</pallas_src>

<mosaic_0001>
#map = affine_map<(d0, d1) -> (0)>
#map1 = affine_map<(d0, d1) -> (0, 0)>
#map2 = affine_map<(d0, d1) -> (0, 0, 0)>
module attributes {stable_mosaic.version = 14 : i64} {
  func.func @k(%arg0: i32, %arg1: i32, %arg2: memref<3145728xf32, #tpu.memory_space<hbm>>, %arg3: memref<524288xi32, #tpu.memory_space<hbm>>, %arg4: memref<524288xi32, #tpu.memory_space<hbm>>, %arg5: memref<32x16xf32, #tpu.memory_space<hbm>>, %arg6: memref<2x524288x8xf32, #tpu.memory_space<hbm>>, %arg7: memref<16384xi32, #tpu.memory_space<vmem>>, %arg8: memref<16384xi32, #tpu.memory_space<vmem>>, %arg9: memref<128xi32, #tpu.memory_space<vmem>>, %arg10: memref<128xi32, #tpu.memory_space<vmem>>, %arg11: memref<128xi32, #tpu.memory_space<vmem>>, %arg12: memref<128xi32, #tpu.memory_space<vmem>>, %arg13: memref<128x8xf32, #tpu.memory_space<vmem>>, %arg14: memref<128x8xf32, #tpu.memory_space<vmem>>, %arg15: memref<128x8xf32, #tpu.memory_space<vmem>>, %arg16: memref<128x8xf32, #tpu.memory_space<vmem>>, %arg17: memref<3x4096xf32, #tpu.memory_space<vmem>>, %arg18: memref<3x4096xf32, #tpu.memory_space<vmem>>, %arg19: memref<2048x8xf32, #tpu.memory_space<vmem>>, %arg20: memref<2048x8xf32, #tpu.memory_space<vmem>>, %arg21: memref<16xf32, #tpu.memory_space<vmem>>, %arg22: memref<!tpu.dma_semaphore, #tpu.memory_space<semaphore_mem>>, %arg23: memref<!tpu.dma_semaphore, #tpu.memory_space<semaphore_mem>>, %arg24: memref<!tpu.dma_semaphore, #tpu.memory_space<semaphore_mem>>, %arg25: memref<!tpu.dma_semaphore, #tpu.memory_space<semaphore_mem>>, %arg26: memref<!tpu.dma_semaphore, #tpu.memory_space<semaphore_mem>>, %arg27: memref<!tpu.dma_semaphore, #tpu.memory_space<semaphore_mem>>, %arg28: memref<!tpu.dma_semaphore, #tpu.memory_space<semaphore_mem>>) attributes {dimension_semantics = [#tpu.dimension_semantics<core_parallel>, #tpu.dimension_semantics<subcore_parallel>], iteration_bounds = array<i64: 2, 16>, scalar_prefetch = 0 : i64, scratch_operands = 22 : i64, tpu.core_type = #tpu.core_type<sc_vector_subcore>, window_params = [{transform_indices = #map}, {transform_indices = #map}, {transform_indices = #map}, {transform_indices = #map1}, {transform_indices = #map2}]} {
    %mul3A = arith.constant 2 : i32
    %mul3A_0 = arith.muli %arg1, %mul3A : i32
    %add3A = arith.addi %mul3A_0, %arg0 : i32
    %mul3A_1 = arith.constant 16384 : i32
    %mul3A_2 = arith.muli %add3A, %mul3A_1 : i32
    %broadcast_in_dim3A = arith.constant 0.000000e+00 : f32
    %broadcast_in_dim3A_3 = vector.broadcast %broadcast_in_dim3A : f32 to vector<16xf32>
    %swap3A = arith.constant 0 : index
    %swap3A_4 = tpu.vector_load %arg21[%swap3A] {strides = array<i32>} : memref<16xf32, #tpu.memory_space<vmem>>, vector<16xf32>,
    tpu.vector_store %arg21[%swap3A], %broadcast_in_dim3A_3 {strides = array<i32>} : memref<16xf32, #tpu.memory_space<vmem>>, vector<16xf32>,
    %iota3A = tpu.iota {dimensions = array<i32: 0>} : vector<16xi32>
    %dma_start3A = tpu.memref_slice %arg3[%mul3A_2] : memref<524288xi32, #tpu.memory_space<hbm>> -> memref<16384xi32, #tpu.memory_space<hbm>>
    %dma_start3A_5 = tpu.memref_slice %arg3[%mul3A_2] : memref<524288xi32, #tpu.memory_space<hbm>> -> memref<16384xi32, #tpu.memory_space<hbm>>
    tpu.enqueue_dma source(%dma_start3A_5 : memref<16384xi32, #tpu.memory_space<hbm>>) target(%arg7 : memref<16384xi32, #tpu.memory_space<vmem>>) target_semaphore(%arg22 : memref<!tpu.dma_semaphore, #tpu.memory_space<semaphore_mem>>)
    %dma_start3A_6 = tpu.memref_slice %arg4[%mul3A_2] : memref<524288xi32, #tpu.memory_space<hbm>> -> memref<16384xi32, #tpu.memory_space<hbm>>
    %dma_start3A_7 = tpu.memref_slice %arg4[%mul3A_2] : memref<524288xi32, #tpu.memory_space<hbm>> -> memref<16384xi32, #tpu.memory_space<hbm>>
    tpu.enqueue_dma source(%dma_start3A_7 : memref<16384xi32, #tpu.memory_space<hbm>>) target(%arg8 : memref<16384xi32, #tpu.memory_space<vmem>>) target_semaphore(%arg22 : memref<!tpu.dma_semaphore, #tpu.memory_space<semaphore_mem>>)
    %mul3A_8 = arith.constant 65536 : i32
    %mul3A_9 = arith.muli %arg1, %mul3A_8 : i32
    %shift_right_arithmetic3A = arith.constant 1 : i32
    %shift_right_arithmetic3A_10 = vector.broadcast %shift_right_arithmetic3A : i32 to vector<16xi32>
    %shift_right_arithmetic3A_11 = arith.shrsi %iota3A, %shift_right_arithmetic3A_10 : vector<16xi32>
    %and3A = arith.constant 1 : i32
    %and3A_12 = vector.broadcast %and3A : i32 to vector<16xi32>
    %and3A_13 = arith.andi %iota3A, %and3A_12 : vector<16xi32>
    %add3A_14 = arith.constant 0 : i32
    %add3A_15 = arith.addi %mul3A_9, %add3A_14 : i32
    %add3A_16 = arith.constant 0 : i32
    %add3A_17 = arith.addi %add3A_16, %add3A_15 : i32
    %dma_start3A_18 = arith.constant 0 : i32
    %dma_start3A_19 = arith.constant 0 : i32
    %dma_start3A_20 = tpu.memref_slice %arg17[%dma_start3A_18, %dma_start3A_19] : memref<3x4096xf32, #tpu.memory_space<vmem>> -> memref<1x4096xf32, #tpu.memory_space<vmem>>
    %dma_start3A_21 = tpu.memref_squeeze %dma_start3A_20 : memref<1x4096xf32, #tpu.memory_space<vmem>> -> memref<4096xf32, #tpu.memory_space<vmem>>
    %dma_start3A_22 = tpu.memref_slice %arg2[%add3A_17] : memref<3145728xf32, #tpu.memory_space<hbm>> -> memref<4096xf32, #tpu.memory_space<hbm>>
    %dma_start3A_23 = arith.constant 0 : i32
    %dma_start3A_24 = tpu.memref_slice %arg17[%dma_start3A_18, %dma_start3A_23] : memref<3x4096xf32, #tpu.memory_space<vmem>> -> memref<1x4096xf32, #tpu.memory_space<vmem>>
    %dma_start3A_25 = tpu.memref_squeeze %dma_start3A_24 : memref<1x4096xf32, #tpu.memory_space<vmem>> -> memref<4096xf32, #tpu.memory_space<vmem>>
    %dma_start3A_26 = tpu.memref_slice %arg2[%add3A_17] : memref<3145728xf32, #tpu.memory_space<hbm>> -> memref<4096xf32, #tpu.memory_space<hbm>>
    tpu.enqueue_dma source(%dma_start3A_26 : memref<4096xf32, #tpu.memory_space<hbm>>) target(%dma_start3A_25 : memref<4096xf32, #tpu.memory_space<vmem>>) target_semaphore(%arg25 : memref<!tpu.dma_semaphore, #tpu.memory_space<semaphore_mem>>)
    %add3A_27 = arith.constant 1048576 : i32
    %add3A_28 = arith.addi %add3A_27, %add3A_15 : i32
    %dma_start3A_29 = arith.constant 1 : i32
    %dma_start3A_30 = arith.constant 0 : i32
    %dma_start3A_31 = tpu.memref_slice %arg17[%dma_start3A_29, %dma_start3A_30] : memref<3x4096xf32, #tpu.memory_space<vmem>> -> memref<1x4096xf32, #tpu.memory_space<vmem>>
    %dma_start3A_32 = tpu.memref_squeeze %dma_start3A_31 : memref<1x4096xf32, #tpu.memory_space<vmem>> -> memref<4096xf32, #tpu.memory_space<vmem>>
    %dma_start3A_33 = tpu.memref_slice %arg2[%add3A_28] : memref<3145728xf32, #tpu.memory_space<hbm>> -> memref<4096xf32, #tpu.memory_space<hbm>>
    %dma_start3A_34 = arith.constant 0 : i32
    %dma_start3A_35 = tpu.memref_slice %arg17[%dma_start3A_29, %dma_start3A_34] : memref<3x4096xf32, #tpu.memory_space<vmem>> -> memref<1x4096xf32, #tpu.memory_space<vmem>>
    %dma_start3A_36 = tpu.memref_squeeze %dma_start3A_35 : memref<1x4096xf32, #tpu.memory_space<vmem>> -> memref<4096xf32, #tpu.memory_space<vmem>>
    %dma_start3A_37 = tpu.memref_slice %arg2[%add3A_28] : memref<3145728xf32, #tpu.memory_space<hbm>> -> memref<4096xf32, #tpu.memory_space<hbm>>
    tpu.enqueue_dma source(%dma_start3A_37 : memref<4096xf32, #tpu.memory_space<hbm>>) target(%dma_start3A_36 : memref<4096xf32, #tpu.memory_space<vmem>>) target_semaphore(%arg25 : memref<!tpu.dma_semaphore, #tpu.memory_space<semaphore_mem>>)
    %add3A_38 = arith.constant 2097152 : i32
    %add3A_39 = arith.addi %add3A_38, %add3A_15 : i32
    %dma_start3A_40 = arith.constant 2 : i32
    %dma_start3A_41 = arith.constant 0 : i32
    %dma_start3A_42 = tpu.memref_slice %arg17[%dma_start3A_40, %dma_start3A_41] : memref<3x4096xf32, #tpu.memory_space<vmem>> -> memref<1x4096xf32, #tpu.memory_space<vmem>>
    %dma_start3A_43 = tpu.memref_squeeze %dma_start3A_42 : memref<1x4096xf32, #tpu.memory_space<vmem>> -> memref<4096xf32, #tpu.memory_space<vmem>>
    %dma_start3A_44 = tpu.memref_slice %arg2[%add3A_39] : memref<3145728xf32, #tpu.memory_space<hbm>> -> memref<4096xf32, #tpu.memory_space<hbm>>
    %dma_start3A_45 = arith.constant 0 : i32
    %dma_start3A_46 = tpu.memref_slice %arg17[%dma_start3A_40, %dma_start3A_45] : memref<3x4096xf32, #tpu.memory_space<vmem>> -> memref<1x4096xf32, #tpu.memory_space<vmem>>
    %dma_start3A_47 = tpu.memref_squeeze %dma_start3A_46 : memref<1x4096xf32, #tpu.memory_space<vmem>> -> memref<4096xf32, #tpu.memory_space<vmem>>
    %dma_start3A_48 = tpu.memref_slice %arg2[%add3A_39] : memref<3145728xf32, #tpu.memory_space<hbm>> -> memref<4096xf32, #tpu.memory_space<hbm>>
    tpu.enqueue_dma source(%dma_start3A_48 : memref<4096xf32, #tpu.memory_space<hbm>>) target(%dma_start3A_47 : memref<4096xf32, #tpu.memory_space<vmem>>) target_semaphore(%arg25 : memref<!tpu.dma_semaphore, #tpu.memory_space<semaphore_mem>>)
    %add3A_49 = arith.constant 4096 : i32
    %add3A_50 = arith.addi %mul3A_9, %add3A_49 : i32
    %add3A_51 = arith.constant 0 : i32
    %add3A_52 = arith.addi %add3A_51, %add3A_50 : i32
    %dma_start3A_53 = arith.constant 0 : i32
    %dma_start3A_54 = arith.constant 0 : i32
    %dma_start3A_55 = tpu.memref_slice %arg18[%dma_start3A_53, %dma_start3A_54] : memref<3x4096xf32, #tpu.memory_space<vmem>> -> memref<1x4096xf32, #tpu.memory_space<vmem>>
    %dma_start3A_56 = tpu.memref_squeeze %dma_start3A_55 : memref<1x4096xf32, #tpu.memory_space<vmem>> -> memref<4096xf32, #tpu.memory_space<vmem>>
    %dma_start3A_57 = tpu.memref_slice %arg2[%add3A_52] : memref<3145728xf32, #tpu.memory_space<hbm>> -> memref<4096xf32, #tpu.memory_space<hbm>>
    %dma_start3A_58 = arith.constant 0 : i32
    %dma_start3A_59 = tpu.memref_slice %arg18[%dma_start3A_53, %dma_start3A_58] : memref<3x4096xf32, #tpu.memory_space<vmem>> -> memref<1x4096xf32, #tpu.memory_space<vmem>>
    %dma_start3A_60 = tpu.memref_squeeze %dma_start3A_59 : memref<1x4096xf32, #tpu.memory_space<vmem>> -> memref<4096xf32, #tpu.memory_space<vmem>>
    %dma_start3A_61 = tpu.memref_slice %arg2[%add3A_52] : memref<3145728xf32, #tpu.memory_space<hbm>> -> memref<4096xf32, #tpu.memory_space<hbm>>
    tpu.enqueue_dma source(%dma_start3A_61 : memref<4096xf32, #tpu.memory_space<hbm>>) target(%dma_start3A_60 : memref<4096xf32, #tpu.memory_space<vmem>>) target_semaphore(%arg26 : memref<!tpu.dma_semaphore, #tpu.memory_space<semaphore_mem>>)
    %add3A_62 = arith.constant 1048576 : i32
    %add3A_63 = arith.addi %add3A_62, %add3A_50 : i32
    %dma_start3A_64 = arith.constant 1 : i32
    %dma_start3A_65 = arith.constant 0 : i32
    %dma_start3A_66 = tpu.memref_slice %arg18[%dma_start3A_64, %dma_start3A_65] : memref<3x4096xf32, #tpu.memory_space<vmem>> -> memref<1x4096xf32, #tpu.memory_space<vmem>>
    %dma_start3A_67 = tpu.memref_squeeze %dma_start3A_66 : memref<1x4096xf32, #tpu.memory_space<vmem>> -> memref<4096xf32, #tpu.memory_space<vmem>>
    %dma_start3A_68 = tpu.memref_slice %arg2[%add3A_63] : memref<3145728xf32, #tpu.memory_space<hbm>> -> memref<4096xf32, #tpu.memory_space<hbm>>
    %dma_start3A_69 = arith.constant 0 : i32
    %dma_start3A_70 = tpu.memref_slice %arg18[%dma_start3A_64, %dma_start3A_69] : memref<3x4096xf32, #tpu.memory_space<vmem>> -> memref<1x4096xf32, #tpu.memory_space<vmem>>
    %dma_start3A_71 = tpu.memref_squeeze %dma_start3A_70 : memref<1x4096xf32, #tpu.memory_space<vmem>> -> memref<4096xf32, #tpu.memory_space<vmem>>
    %dma_start3A_72 = tpu.memref_slice %arg2[%add3A_63] : memref<3145728xf32, #tpu.memory_space<hbm>> -> memref<4096xf32, #tpu.memory_space<hbm>>
    tpu.enqueue_dma source(%dma_start3A_72 : memref<4096xf32, #tpu.memory_space<hbm>>) target(%dma_start3A_71 : memref<4096xf32, #tpu.memory_space<vmem>>) target_semaphore(%arg26 : memref<!tpu.dma_semaphore, #tpu.memory_space<semaphore_mem>>)
    %add3A_73 = arith.constant 2097152 : i32
    %add3A_74 = arith.addi %add3A_73, %add3A_50 : i32
    %dma_start3A_75 = arith.constant 2 : i32
    %dma_start3A_76 = arith.constant 0 : i32
    %dma_start3A_77 = tpu.memref_slice %arg18[%dma_start3A_75, %dma_start3A_76] : memref<3x4096xf32, #tpu.memory_space<vmem>> -> memref<1x4096xf32, #tpu.memory_space<vmem>>
    %dma_start3A_78 = tpu.memref_squeeze %dma_start3A_77 : memref<1x4096xf32, #tpu.memory_space<vmem>> -> memref<4096xf32, #tpu.memory_space<vmem>>
    %dma_start3A_79 = tpu.memref_slice %arg2[%add3A_74] : memref<3145728xf32, #tpu.memory_space<hbm>> -> memref<4096xf32, #tpu.memory_space<hbm>>
    %dma_start3A_80 = arith.constant 0 : i32
    %dma_start3A_81 = tpu.memref_slice %arg18[%dma_start3A_75, %dma_start3A_80] : memref<3x4096xf32, #tpu.memory_space<vmem>> -> memref<1x4096xf32, #tpu.memory_space<vmem>>
    %dma_start3A_82 = tpu.memref_squeeze %dma_start3A_81 : memref<1x4096xf32, #tpu.memory_space<vmem>> -> memref<4096xf32, #tpu.memory_space<vmem>>
    %dma_start3A_83 = tpu.memref_slice %arg2[%add3A_74] : memref<3145728xf32, #tpu.memory_space<hbm>> -> memref<4096xf32, #tpu.memory_space<hbm>>
    tpu.enqueue_dma source(%dma_start3A_83 : memref<4096xf32, #tpu.memory_space<hbm>>) target(%dma_start3A_82 : memref<4096xf32, #tpu.memory_space<vmem>>) target_semaphore(%arg26 : memref<!tpu.dma_semaphore, #tpu.memory_space<semaphore_mem>>)
    %scan3A = arith.constant 0 : i32
    %scan3A_84 = arith.constant 8 : i32
    %scan3A_85 = arith.addi %scan3A, %scan3A_84 : i32
    %scan3A_86 = arith.constant 1 : i32
    scf.for %scan3A_174 = %scan3A to %scan3A_85 step %scan3A_86  : i32 {
      %mul3A_175 = arith.constant 2 : i32
      %mul3A_176 = arith.muli %scan3A_174, %mul3A_175 : i32
      %add3A_177 = arith.constant 0 : i32
      %add3A_178 = arith.addi %add3A_177, %mul3A_176 : i32
      %add3A_179 = arith.constant 0 : i32
      %add3A_180 = arith.addi %add3A_178, %add3A_179 : i32
      %dma_wait3A_181 = arith.constant 0 : i32
      %dma_wait3A_182 = arith.constant 0 : i32
      %dma_wait3A_183 = tpu.memref_slice %arg17[%dma_wait3A_181, %dma_wait3A_182] : memref<3x4096xf32, #tpu.memory_space<vmem>> -> memref<1x4096xf32, #tpu.memory_space<vmem>>
      %dma_wait3A_184 = tpu.memref_squeeze %dma_wait3A_183 : memref<1x4096xf32, #tpu.memory_space<vmem>> -> memref<4096xf32, #tpu.memory_space<vmem>>
      %dma_wait3A_185 = arith.constant 0 : i32
      %dma_wait3A_186 = tpu.memref_slice %arg2[%dma_wait3A_185] : memref<3145728xf32, #tpu.memory_space<hbm>> -> memref<4096xf32, #tpu.memory_space<hbm>>
      %dma_wait3A_187 = arith.constant 0 : i32
      %dma_wait3A_188 = tpu.memref_slice %arg17[%dma_wait3A_181, %dma_wait3A_187] : memref<3x4096xf32, #tpu.memory_space<vmem>> -> memref<1x4096xf32, #tpu.memory_space<vmem>>
      %dma_wait3A_189 = tpu.memref_squeeze %dma_wait3A_188 : memref<1x4096xf32, #tpu.memory_space<vmem>> -> memref<4096xf32, #tpu.memory_space<vmem>>
      %dma_wait3A_190 = arith.constant 0 : i32
      %dma_wait3A_191 = tpu.memref_slice %arg2[%dma_wait3A_190] : memref<3145728xf32, #tpu.memory_space<hbm>> -> memref<4096xf32, #tpu.memory_space<hbm>>
      tpu.wait_dma2 semaphore(%arg25 : memref<!tpu.dma_semaphore, #tpu.memory_space<semaphore_mem>>) src(%dma_wait3A_191 : memref<4096xf32, #tpu.memory_space<hbm>>) dst(%dma_wait3A_189 : memref<4096xf32, #tpu.memory_space<vmem>>)
      %dma_wait3A_192 = arith.constant 1 : i32
      %dma_wait3A_193 = arith.constant 0 : i32
      %dma_wait3A_194 = tpu.memref_slice %arg17[%dma_wait3A_192, %dma_wait3A_193] : memref<3x4096xf32, #tpu.memory_space<vmem>> -> memref<1x4096xf32, #tpu.memory_space<vmem>>
      %dma_wait3A_195 = tpu.memref_squeeze %dma_wait3A_194 : memref<1x4096xf32, #tpu.memory_space<vmem>> -> memref<4096xf32, #tpu.memory_space<vmem>>
      %dma_wait3A_196 = arith.constant 0 : i32
      %dma_wait3A_197 = tpu.memref_slice %arg2[%dma_wait3A_196] : memref<3145728xf32, #tpu.memory_space<hbm>> -> memref<4096xf32, #tpu.memory_space<hbm>>
      %dma_wait3A_198 = arith.constant 0 : i32
      %dma_wait3A_199 = tpu.memref_slice %arg17[%dma_wait3A_192, %dma_wait3A_198] : memref<3x4096xf32, #tpu.memory_space<vmem>> -> memref<1x4096xf32, #tpu.memory_space<vmem>>
      %dma_wait3A_200 = tpu.memref_squeeze %dma_wait3A_199 : memref<1x4096xf32, #tpu.memory_space<vmem>> -> memref<4096xf32, #tpu.memory_space<vmem>>
      %dma_wait3A_201 = arith.constant 0 : i32
      %dma_wait3A_202 = tpu.memref_slice %arg2[%dma_wait3A_201] : memref<3145728xf32, #tpu.memory_space<hbm>> -> memref<4096xf32, #tpu.memory_space<hbm>>
      tpu.wait_dma2 semaphore(%arg25 : memref<!tpu.dma_semaphore, #tpu.memory_space<semaphore_mem>>) src(%dma_wait3A_202 : memref<4096xf32, #tpu.memory_space<hbm>>) dst(%dma_wait3A_200 : memref<4096xf32, #tpu.memory_space<vmem>>)
      %dma_wait3A_203 = arith.constant 2 : i32
      %dma_wait3A_204 = arith.constant 0 : i32
      %dma_wait3A_205 = tpu.memref_slice %arg17[%dma_wait3A_203, %dma_wait3A_204] : memref<3x4096xf32, #tpu.memory_space<vmem>> -> memref<1x4096xf32, #tpu.memory_space<vmem>>
      %dma_wait3A_206 = tpu.memref_squeeze %dma_wait3A_205 : memref<1x4096xf32, #tpu.memory_space<vmem>> -> memref<4096xf32, #tpu.memory_space<vmem>>
      %dma_wait3A_207 = arith.constant 0 : i32
      %dma_wait3A_208 = tpu.memref_slice %arg2[%dma_wait3A_207] : memref<3145728xf32, #tpu.memory_space<hbm>> -> memref<4096xf32, #tpu.memory_space<hbm>>
      %dma_wait3A_209 = arith.constant 0 : i32
      %dma_wait3A_210 = tpu.memref_slice %arg17[%dma_wait3A_203, %dma_wait3A_209] : memref<3x4096xf32, #tpu.memory_space<vmem>> -> memref<1x4096xf32, #tpu.memory_space<vmem>>
      %dma_wait3A_211 = tpu.memref_squeeze %dma_wait3A_210 : memref<1x4096xf32, #tpu.memory_space<vmem>> -> memref<4096xf32, #tpu.memory_space<vmem>>
      %dma_wait3A_212 = arith.constant 0 : i32
      %dma_wait3A_213 = tpu.memref_slice %arg2[%dma_wait3A_212] : memref<3145728xf32, #tpu.memory_space<hbm>> -> memref<4096xf32, #tpu.memory_space<hbm>>
      tpu.wait_dma2 semaphore(%arg25 : memref<!tpu.dma_semaphore, #tpu.memory_space<semaphore_mem>>) src(%dma_wait3A_213 : memref<4096xf32, #tpu.memory_space<hbm>>) dst(%dma_wait3A_211 : memref<4096xf32, #tpu.memory_space<vmem>>)
      %ge3A = arith.constant 2 : i32
      %ge3A_214 = arith.cmpi sge, %add3A_180, %ge3A : i32
      %convert_element_type3A = arith.extui %ge3A_214 : i1 to i32
      %cond3A = arith.constant 0 : i32
      %cond3A_215 = arith.cmpi ne, %convert_element_type3A, %cond3A : i32
      scf.if %cond3A_215 {
        %dma_wait3A_350 = arith.constant 0 : i32
        %dma_wait3A_351 = arith.constant 0 : i32
        %dma_wait3A_352 = tpu.memref_slice %arg6[%arg0, %dma_wait3A_350, %dma_wait3A_351] : memref<2x524288x8xf32, #tpu.memory_space<hbm>> -> memref<1x524288x8xf32, #tpu.memory_space<hbm>>
        %dma_wait3A_353 = tpu.memref_squeeze %dma_wait3A_352 : memref<1x524288x8xf32, #tpu.memory_space<hbm>> -> memref<524288x8xf32, #tpu.memory_space<hbm>>
        %dma_wait3A_354 = arith.constant 0 : i32
        %dma_wait3A_355 = arith.constant 0 : i32
        %dma_wait3A_356 = tpu.memref_slice %dma_wait3A_353[%dma_wait3A_354, %dma_wait3A_355] : memref<524288x8xf32, #tpu.memory_space<hbm>> -> memref<2048x8xf32, #tpu.memory_space<hbm>>
        %dma_wait3A_357 = arith.constant 0 : i32
        %dma_wait3A_358 = arith.constant 0 : i32
        %dma_wait3A_359 = tpu.memref_slice %arg6[%arg0, %dma_wait3A_357, %dma_wait3A_358] : memref<2x524288x8xf32, #tpu.memory_space<hbm>> -> memref<1x524288x8xf32, #tpu.memory_space<hbm>>
        %dma_wait3A_360 = tpu.memref_squeeze %dma_wait3A_359 : memref<1x524288x8xf32, #tpu.memory_space<hbm>> -> memref<524288x8xf32, #tpu.memory_space<hbm>>
        %dma_wait3A_361 = arith.constant 0 : i32
        %dma_wait3A_362 = arith.constant 0 : i32
        %dma_wait3A_363 = tpu.memref_slice %dma_wait3A_360[%dma_wait3A_361, %dma_wait3A_362] : memref<524288x8xf32, #tpu.memory_space<hbm>> -> memref<2048x8xf32, #tpu.memory_space<hbm>>
        tpu.wait_dma2 semaphore(%arg27 : memref<!tpu.dma_semaphore, #tpu.memory_space<semaphore_mem>>) src(%arg19 : memref<2048x8xf32, #tpu.memory_space<vmem>>) dst(%dma_wait3A_363 : memref<2048x8xf32, #tpu.memory_space<hbm>>)
      } else {
      }
      %scan3A_216 = arith.constant 0 : i32
      %scan3A_217 = arith.constant 256 : i32
      %scan3A_218 = arith.addi %scan3A_216, %scan3A_217 : i32
      %scan3A_219 = arith.constant 1 : i32
      scf.for %scan3A_350 = %scan3A_216 to %scan3A_218 step %scan3A_219  : i32 {
        %mul3A_351 = arith.constant 16 : i32
        %mul3A_352 = arith.muli %scan3A_350, %mul3A_351 : i32
        %add3A_353 = arith.constant 0 : i32
        %add3A_354 = arith.addi %add3A_353, %mul3A_352 : i32
        %get3A = arith.constant 0 : i32
        %get3A_355 = arith.index_cast %get3A : i32 to index
        %get3A_356 = arith.index_cast %add3A_354 : i32 to index
        %get3A_357 = tpu.vector_load %arg17[%get3A_355, %get3A_356] {strides = array<i32>} : memref<3x4096xf32, #tpu.memory_space<vmem>>, vector<16xf32>,
        %get3A_358 = arith.constant 1 : i32
        %get3A_359 = arith.index_cast %get3A_358 : i32 to index
        %get3A_360 = arith.index_cast %add3A_354 : i32 to index
        %get3A_361 = tpu.vector_load %arg17[%get3A_359, %get3A_360] {strides = array<i32>} : memref<3x4096xf32, #tpu.memory_space<vmem>>, vector<16xf32>,
        %get3A_362 = arith.constant 2 : i32
        %get3A_363 = arith.index_cast %get3A_362 : i32 to index
        %get3A_364 = arith.index_cast %add3A_354 : i32 to index
        %get3A_365 = tpu.vector_load %arg17[%get3A_363, %get3A_364] {strides = array<i32>} : memref<3x4096xf32, #tpu.memory_space<vmem>>, vector<16xf32>,
        %shift_right_arithmetic3A_366 = arith.constant 1 : i32
        %shift_right_arithmetic3A_367 = arith.shrsi %add3A_354, %shift_right_arithmetic3A_366 : i32
        %add3A_368 = vector.broadcast %shift_right_arithmetic3A_367 : i32 to vector<16xi32>
        %add3A_369 = arith.addi %shift_right_arithmetic3A_11, %add3A_368 : vector<16xi32>
        tpu.vector_store_idx %arg19[%add3A_369, %and3A_13], %get3A_357 : memref<2048x8xf32, #tpu.memory_space<vmem>>[vector<16xi32>, vector<16xi32>], vector<16xf32>,
        %add3A_370 = arith.constant 2 : i32
        %add3A_371 = vector.broadcast %add3A_370 : i32 to vector<16xi32>
        %add3A_372 = arith.addi %and3A_13, %add3A_371 : vector<16xi32>
        tpu.vector_store_idx %arg19[%add3A_369, %add3A_372], %get3A_361 : memref<2048x8xf32, #tpu.memory_space<vmem>>[vector<16xi32>, vector<16xi32>], vector<16xf32>,
        %add3A_373 = arith.constant 4 : i32
        %add3A_374 = vector.broadcast %add3A_373 : i32 to vector<16xi32>
        %add3A_375 = arith.addi %and3A_13, %add3A_374 : vector<16xi32>
        tpu.vector_store_idx %arg19[%add3A_369, %add3A_375], %get3A_365 : memref<2048x8xf32, #tpu.memory_space<vmem>>[vector<16xi32>, vector<16xi32>], vector<16xf32>,
      }
      %scan3A_220 = arith.constant 256 : i32
      %mul3A_221 = arith.constant 4096 : i32
      %mul3A_222 = arith.muli %add3A_180, %mul3A_221 : i32
      %add3A_223 = arith.addi %mul3A_9, %mul3A_222 : i32
      %jit3A = arith.constant 2 : i32
      %div3A = arith.divsi %add3A_223, %jit3A : i32
      %sign3A = arith.constant 0 : i32
      %sign3A_224 = arith.cmpi sgt, %add3A_223, %sign3A : i32
      %sign3A_225 = arith.extui %sign3A_224 : i1 to i32
      %sign3A_226 = arith.constant 0 : i32
      %sign3A_227 = arith.cmpi slt, %add3A_223, %sign3A_226 : i32
      %sign3A_228 = arith.extui %sign3A_227 : i1 to i32
      %sign3A_229 = arith.subi %sign3A_225, %sign3A_228 : i32
      %sign3A_230 = arith.constant 0 : i32
      %sign3A_231 = arith.cmpi sgt, %jit3A, %sign3A_230 : i32
      %sign3A_232 = arith.extui %sign3A_231 : i1 to i32
      %sign3A_233 = arith.constant 0 : i32
      %sign3A_234 = arith.cmpi slt, %jit3A, %sign3A_233 : i32
      %sign3A_235 = arith.extui %sign3A_234 : i1 to i32
      %sign3A_236 = arith.subi %sign3A_232, %sign3A_235 : i32
      %ne3A = arith.cmpi ne, %sign3A_229, %sign3A_236 : i32
      %rem3A = arith.remsi %add3A_223, %jit3A : i32
      %ne3A_237 = arith.constant 0 : i32
      %ne3A_238 = arith.cmpi ne, %rem3A, %ne3A_237 : i32
      %and3A_239 = arith.andi %ne3A, %ne3A_238 : i1
      %sub3A = arith.constant 1 : i32
      %sub3A_240 = arith.subi %div3A, %sub3A : i32
      %select_n3A = arith.select %and3A_239, %sub3A_240, %div3A : i32
      %dma_start3A_241 = arith.constant 0 : i32
      %dma_start3A_242 = arith.constant 0 : i32
      %dma_start3A_243 = tpu.memref_slice %arg6[%arg0, %dma_start3A_241, %dma_start3A_242] : memref<2x524288x8xf32, #tpu.memory_space<hbm>> -> memref<1x524288x8xf32, #tpu.memory_space<hbm>>
      %dma_start3A_244 = tpu.memref_squeeze %dma_start3A_243 : memref<1x524288x8xf32, #tpu.memory_space<hbm>> -> memref<524288x8xf32, #tpu.memory_space<hbm>>
      %dma_start3A_245 = arith.constant 0 : i32
      %dma_start3A_246 = tpu.memref_slice %dma_start3A_244[%select_n3A, %dma_start3A_245] : memref<524288x8xf32, #tpu.memory_space<hbm>> -> memref<2048x8xf32, #tpu.memory_space<hbm>>
      %dma_start3A_247 = arith.constant 0 : i32
      %dma_start3A_248 = arith.constant 0 : i32
      %dma_start3A_249 = tpu.memref_slice %arg6[%arg0, %dma_start3A_247, %dma_start3A_248] : memref<2x524288x8xf32, #tpu.memory_space<hbm>> -> memref<1x524288x8xf32, #tpu.memory_space<hbm>>
      %dma_start3A_250 = tpu.memref_squeeze %dma_start3A_249 : memref<1x524288x8xf32, #tpu.memory_space<hbm>> -> memref<524288x8xf32, #tpu.memory_space<hbm>>
      %dma_start3A_251 = arith.constant 0 : i32
      %dma_start3A_252 = tpu.memref_slice %dma_start3A_250[%select_n3A, %dma_start3A_251] : memref<524288x8xf32, #tpu.memory_space<hbm>> -> memref<2048x8xf32, #tpu.memory_space<hbm>>
      tpu.enqueue_dma source(%arg19 : memref<2048x8xf32, #tpu.memory_space<vmem>>) target(%dma_start3A_252 : memref<2048x8xf32, #tpu.memory_space<hbm>>) target_semaphore(%arg27 : memref<!tpu.dma_semaphore, #tpu.memory_space<semaphore_mem>>)
      %add3A_253 = arith.constant 2 : i32
      %add3A_254 = arith.addi %add3A_180, %add3A_253 : i32
      %lt3A = arith.constant 16 : i32
      %lt3A_255 = arith.cmpi slt, %add3A_254, %lt3A : i32
      %convert_element_type3A_256 = arith.extui %lt3A_255 : i1 to i32
      %cond3A_257 = arith.constant 0 : i32
      %cond3A_258 = arith.cmpi ne, %convert_element_type3A_256, %cond3A_257 : i32
      scf.if %cond3A_258 {
        %add3A_350 = arith.constant 2 : i32
        %add3A_351 = arith.addi %add3A_180, %add3A_350 : i32
        %mul3A_352 = arith.constant 4096 : i32
        %mul3A_353 = arith.muli %add3A_351, %mul3A_352 : i32
        %add3A_354 = arith.addi %mul3A_9, %mul3A_353 : i32
        %add3A_355 = arith.constant 0 : i32
        %add3A_356 = arith.addi %add3A_355, %add3A_354 : i32
        %dma_start3A_357 = arith.constant 0 : i32
        %dma_start3A_358 = arith.constant 0 : i32
        %dma_start3A_359 = tpu.memref_slice %arg17[%dma_start3A_357, %dma_start3A_358] : memref<3x4096xf32, #tpu.memory_space<vmem>> -> memref<1x4096xf32, #tpu.memory_space<vmem>>
        %dma_start3A_360 = tpu.memref_squeeze %dma_start3A_359 : memref<1x4096xf32, #tpu.memory_space<vmem>> -> memref<4096xf32, #tpu.memory_space<vmem>>
        %dma_start3A_361 = tpu.memref_slice %arg2[%add3A_356] : memref<3145728xf32, #tpu.memory_space<hbm>> -> memref<4096xf32, #tpu.memory_space<hbm>>
        %dma_start3A_362 = arith.constant 0 : i32
        %dma_start3A_363 = tpu.memref_slice %arg17[%dma_start3A_357, %dma_start3A_362] : memref<3x4096xf32, #tpu.memory_space<vmem>> -> memref<1x4096xf32, #tpu.memory_space<vmem>>
        %dma_start3A_364 = tpu.memref_squeeze %dma_start3A_363 : memref<1x4096xf32, #tpu.memory_space<vmem>> -> memref<4096xf32, #tpu.memory_space<vmem>>
        %dma_start3A_365 = tpu.memref_slice %arg2[%add3A_356] : memref<3145728xf32, #tpu.memory_space<hbm>> -> memref<4096xf32, #tpu.memory_space<hbm>>
        tpu.enqueue_dma source(%dma_start3A_365 : memref<4096xf32, #tpu.memory_space<hbm>>) target(%dma_start3A_364 : memref<4096xf32, #tpu.memory_space<vmem>>) target_semaphore(%arg25 : memref<!tpu.dma_semaphore, #tpu.memory_space<semaphore_mem>>)
        %add3A_366 = arith.constant 1048576 : i32
        %add3A_367 = arith.addi %add3A_366, %add3A_354 : i32
        %dma_start3A_368 = arith.constant 1 : i32
        %dma_start3A_369 = arith.constant 0 : i32
        %dma_start3A_370 = tpu.memref_slice %arg17[%dma_start3A_368, %dma_start3A_369] : memref<3x4096xf32, #tpu.memory_space<vmem>> -> memref<1x4096xf32, #tpu.memory_space<vmem>>
        %dma_start3A_371 = tpu.memref_squeeze %dma_start3A_370 : memref<1x4096xf32, #tpu.memory_space<vmem>> -> memref<4096xf32, #tpu.memory_space<vmem>>
        %dma_start3A_372 = tpu.memref_slice %arg2[%add3A_367] : memref<3145728xf32, #tpu.memory_space<hbm>> -> memref<4096xf32, #tpu.memory_space<hbm>>
        %dma_start3A_373 = arith.constant 0 : i32
        %dma_start3A_374 = tpu.memref_slice %arg17[%dma_start3A_368, %dma_start3A_373] : memref<3x4096xf32, #tpu.memory_space<vmem>> -> memref<1x4096xf32, #tpu.memory_space<vmem>>
        %dma_start3A_375 = tpu.memref_squeeze %dma_start3A_374 : memref<1x4096xf32, #tpu.memory_space<vmem>> -> memref<4096xf32, #tpu.memory_space<vmem>>
        %dma_start3A_376 = tpu.memref_slice %arg2[%add3A_367] : memref<3145728xf32, #tpu.memory_space<hbm>> -> memref<4096xf32, #tpu.memory_space<hbm>>
        tpu.enqueue_dma source(%dma_start3A_376 : memref<4096xf32, #tpu.memory_space<hbm>>) target(%dma_start3A_375 : memref<4096xf32, #tpu.memory_space<vmem>>) target_semaphore(%arg25 : memref<!tpu.dma_semaphore, #tpu.memory_space<semaphore_mem>>)
        %add3A_377 = arith.constant 2097152 : i32
        %add3A_378 = arith.addi %add3A_377, %add3A_354 : i32
        %dma_start3A_379 = arith.constant 2 : i32
        %dma_start3A_380 = arith.constant 0 : i32
        %dma_start3A_381 = tpu.memref_slice %arg17[%dma_start3A_379, %dma_start3A_380] : memref<3x4096xf32, #tpu.memory_space<vmem>> -> memref<1x4096xf32, #tpu.memory_space<vmem>>
        %dma_start3A_382 = tpu.memref_squeeze %dma_start3A_381 : memref<1x4096xf32, #tpu.memory_space<vmem>> -> memref<4096xf32, #tpu.memory_space<vmem>>
        %dma_start3A_383 = tpu.memref_slice %arg2[%add3A_378] : memref<3145728xf32, #tpu.memory_space<hbm>> -> memref<4096xf32, #tpu.memory_space<hbm>>
        %dma_start3A_384 = arith.constant 0 : i32
        %dma_start3A_385 = tpu.memref_slice %arg17[%dma_start3A_379, %dma_start3A_384] : memref<3x4096xf32, #tpu.memory_space<vmem>> -> memref<1x4096xf32, #tpu.memory_space<vmem>>
        %dma_start3A_386 = tpu.memref_squeeze %dma_start3A_385 : memref<1x4096xf32, #tpu.memory_space<vmem>> -> memref<4096xf32, #tpu.memory_space<vmem>>
        %dma_start3A_387 = tpu.memref_slice %arg2[%add3A_378] : memref<3145728xf32, #tpu.memory_space<hbm>> -> memref<4096xf32, #tpu.memory_space<hbm>>
        tpu.enqueue_dma source(%dma_start3A_387 : memref<4096xf32, #tpu.memory_space<hbm>>) target(%dma_start3A_386 : memref<4096xf32, #tpu.memory_space<vmem>>) target_semaphore(%arg25 : memref<!tpu.dma_semaphore, #tpu.memory_space<semaphore_mem>>)
      } else {
      }
      %add3A_259 = arith.constant 1 : i32
      %add3A_260 = arith.addi %add3A_178, %add3A_259 : i32
      %dma_wait3A_261 = arith.constant 0 : i32
      %dma_wait3A_262 = arith.constant 0 : i32
      %dma_wait3A_263 = tpu.memref_slice %arg18[%dma_wait3A_261, %dma_wait3A_262] : memref<3x4096xf32, #tpu.memory_space<vmem>> -> memref<1x4096xf32, #tpu.memory_space<vmem>>
      %dma_wait3A_264 = tpu.memref_squeeze %dma_wait3A_263 : memref<1x4096xf32, #tpu.memory_space<vmem>> -> memref<4096xf32, #tpu.memory_space<vmem>>
      %dma_wait3A_265 = arith.constant 0 : i32
      %dma_wait3A_266 = tpu.memref_slice %arg2[%dma_wait3A_265] : memref<3145728xf32, #tpu.memory_space<hbm>> -> memref<4096xf32, #tpu.memory_space<hbm>>
      %dma_wait3A_267 = arith.constant 0 : i32
      %dma_wait3A_268 = tpu.memref_slice %arg18[%dma_wait3A_261, %dma_wait3A_267] : memref<3x4096xf32, #tpu.memory_space<vmem>> -> memref<1x4096xf32, #tpu.memory_space<vmem>>
      %dma_wait3A_269 = tpu.memref_squeeze %dma_wait3A_268 : memref<1x4096xf32, #tpu.memory_space<vmem>> -> memref<4096xf32, #tpu.memory_space<vmem>>
      %dma_wait3A_270 = arith.constant 0 : i32
      %dma_wait3A_271 = tpu.memref_slice %arg2[%dma_wait3A_270] : memref<3145728xf32, #tpu.memory_space<hbm>> -> memref<4096xf32, #tpu.memory_space<hbm>>
      tpu.wait_dma2 semaphore(%arg26 : memref<!tpu.dma_semaphore, #tpu.memory_space<semaphore_mem>>) src(%dma_wait3A_271 : memref<4096xf32, #tpu.memory_space<hbm>>) dst(%dma_wait3A_269 : memref<4096xf32, #tpu.memory_space<vmem>>)
      %dma_wait3A_272 = arith.constant 1 : i32
      %dma_wait3A_273 = arith.constant 0 : i32
      %dma_wait3A_274 = tpu.memref_slice %arg18[%dma_wait3A_272, %dma_wait3A_273] : memref<3x4096xf32, #tpu.memory_space<vmem>> -> memref<1x4096xf32, #tpu.memory_space<vmem>>
      %dma_wait3A_275 = tpu.memref_squeeze %dma_wait3A_274 : memref<1x4096xf32, #tpu.memory_space<vmem>> -> memref<4096xf32, #tpu.memory_space<vmem>>
      %dma_wait3A_276 = arith.constant 0 : i32
      %dma_wait3A_277 = tpu.memref_slice %arg2[%dma_wait3A_276] : memref<3145728xf32, #tpu.memory_space<hbm>> -> memref<4096xf32, #tpu.memory_space<hbm>>
      %dma_wait3A_278 = arith.constant 0 : i32
      %dma_wait3A_279 = tpu.memref_slice %arg18[%dma_wait3A_272, %dma_wait3A_278] : memref<3x4096xf32, #tpu.memory_space<vmem>> -> memref<1x4096xf32, #tpu.memory_space<vmem>>
      %dma_wait3A_280 = tpu.memref_squeeze %dma_wait3A_279 : memref<1x4096xf32, #tpu.memory_space<vmem>> -> memref<4096xf32, #tpu.memory_space<vmem>>
      %dma_wait3A_281 = arith.constant 0 : i32
      %dma_wait3A_282 = tpu.memref_slice %arg2[%dma_wait3A_281] : memref<3145728xf32, #tpu.memory_space<hbm>> -> memref<4096xf32, #tpu.memory_space<hbm>>
      tpu.wait_dma2 semaphore(%arg26 : memref<!tpu.dma_semaphore, #tpu.memory_space<semaphore_mem>>) src(%dma_wait3A_282 : memref<4096xf32, #tpu.memory_space<hbm>>) dst(%dma_wait3A_280 : memref<4096xf32, #tpu.memory_space<vmem>>)
      %dma_wait3A_283 = arith.constant 2 : i32
      %dma_wait3A_284 = arith.constant 0 : i32
      %dma_wait3A_285 = tpu.memref_slice %arg18[%dma_wait3A_283, %dma_wait3A_284] : memref<3x4096xf32, #tpu.memory_space<vmem>> -> memref<1x4096xf32, #tpu.memory_space<vmem>>
      %dma_wait3A_286 = tpu.memref_squeeze %dma_wait3A_285 : memref<1x4096xf32, #tpu.memory_space<vmem>> -> memref<4096xf32, #tpu.memory_space<vmem>>
      %dma_wait3A_287 = arith.constant 0 : i32
      %dma_wait3A_288 = tpu.memref_slice %arg2[%dma_wait3A_287] : memref<3145728xf32, #tpu.memory_space<hbm>> -> memref<4096xf32, #tpu.memory_space<hbm>>
      %dma_wait3A_289 = arith.constant 0 : i32
      %dma_wait3A_290 = tpu.memref_slice %arg18[%dma_wait3A_283, %dma_wait3A_289] : memref<3x4096xf32, #tpu.memory_space<vmem>> -> memref<1x4096xf32, #tpu.memory_space<vmem>>
      %dma_wait3A_291 = tpu.memref_squeeze %dma_wait3A_290 : memref<1x4096xf32, #tpu.memory_space<vmem>> -> memref<4096xf32, #tpu.memory_space<vmem>>
      %dma_wait3A_292 = arith.constant 0 : i32
      %dma_wait3A_293 = tpu.memref_slice %arg2[%dma_wait3A_292] : memref<3145728xf32, #tpu.memory_space<hbm>> -> memref<4096xf32, #tpu.memory_space<hbm>>
      tpu.wait_dma2 semaphore(%arg26 : memref<!tpu.dma_semaphore, #tpu.memory_space<semaphore_mem>>) src(%dma_wait3A_293 : memref<4096xf32, #tpu.memory_space<hbm>>) dst(%dma_wait3A_291 : memref<4096xf32, #tpu.memory_space<vmem>>)
      %ge3A_294 = arith.constant 2 : i32
      %ge3A_295 = arith.cmpi sge, %add3A_260, %ge3A_294 : i32
      %convert_element_type3A_296 = arith.extui %ge3A_295 : i1 to i32
      %cond3A_297 = arith.constant 0 : i32
      %cond3A_298 = arith.cmpi ne, %convert_element_type3A_296, %cond3A_297 : i32
      scf.if %cond3A_298 {
        %dma_wait3A_350 = arith.constant 0 : i32
        %dma_wait3A_351 = arith.constant 0 : i32
        %dma_wait3A_352 = tpu.memref_slice %arg6[%arg0, %dma_wait3A_350, %dma_wait3A_351] : memref<2x524288x8xf32, #tpu.memory_space<hbm>> -> memref<1x524288x8xf32, #tpu.memory_space<hbm>>
        %dma_wait3A_353 = tpu.memref_squeeze %dma_wait3A_352 : memref<1x524288x8xf32, #tpu.memory_space<hbm>> -> memref<524288x8xf32, #tpu.memory_space<hbm>>
        %dma_wait3A_354 = arith.constant 0 : i32
        %dma_wait3A_355 = arith.constant 0 : i32
        %dma_wait3A_356 = tpu.memref_slice %dma_wait3A_353[%dma_wait3A_354, %dma_wait3A_355] : memref<524288x8xf32, #tpu.memory_space<hbm>> -> memref<2048x8xf32, #tpu.memory_space<hbm>>
        %dma_wait3A_357 = arith.constant 0 : i32
        %dma_wait3A_358 = arith.constant 0 : i32
        %dma_wait3A_359 = tpu.memref_slice %arg6[%arg0, %dma_wait3A_357, %dma_wait3A_358] : memref<2x524288x8xf32, #tpu.memory_space<hbm>> -> memref<1x524288x8xf32, #tpu.memory_space<hbm>>
        %dma_wait3A_360 = tpu.memref_squeeze %dma_wait3A_359 : memref<1x524288x8xf32, #tpu.memory_space<hbm>> -> memref<524288x8xf32, #tpu.memory_space<hbm>>
        %dma_wait3A_361 = arith.constant 0 : i32
        %dma_wait3A_362 = arith.constant 0 : i32
        %dma_wait3A_363 = tpu.memref_slice %dma_wait3A_360[%dma_wait3A_361, %dma_wait3A_362] : memref<524288x8xf32, #tpu.memory_space<hbm>> -> memref<2048x8xf32, #tpu.memory_space<hbm>>
        tpu.wait_dma2 semaphore(%arg28 : memref<!tpu.dma_semaphore, #tpu.memory_space<semaphore_mem>>) src(%arg20 : memref<2048x8xf32, #tpu.memory_space<vmem>>) dst(%dma_wait3A_363 : memref<2048x8xf32, #tpu.memory_space<hbm>>)
      } else {
      }
      %scan3A_299 = arith.constant 0 : i32
      %scan3A_300 = arith.constant 256 : i32
      %scan3A_301 = arith.addi %scan3A_299, %scan3A_300 : i32
      %scan3A_302 = arith.constant 1 : i32
      scf.for %scan3A_350 = %scan3A_299 to %scan3A_301 step %scan3A_302  : i32 {
        %mul3A_351 = arith.constant 16 : i32
        %mul3A_352 = arith.muli %scan3A_350, %mul3A_351 : i32
        %add3A_353 = arith.constant 0 : i32
        %add3A_354 = arith.addi %add3A_353, %mul3A_352 : i32
        %get3A = arith.constant 0 : i32
        %get3A_355 = arith.index_cast %get3A : i32 to index
        %get3A_356 = arith.index_cast %add3A_354 : i32 to index
        %get3A_357 = tpu.vector_load %arg18[%get3A_355, %get3A_356] {strides = array<i32>} : memref<3x4096xf32, #tpu.memory_space<vmem>>, vector<16xf32>,
        %get3A_358 = arith.constant 1 : i32
        %get3A_359 = arith.index_cast %get3A_358 : i32 to index
        %get3A_360 = arith.index_cast %add3A_354 : i32 to index
        %get3A_361 = tpu.vector_load %arg18[%get3A_359, %get3A_360] {strides = array<i32>} : memref<3x4096xf32, #tpu.memory_space<vmem>>, vector<16xf32>,
        %get3A_362 = arith.constant 2 : i32
        %get3A_363 = arith.index_cast %get3A_362 : i32 to index
        %get3A_364 = arith.index_cast %add3A_354 : i32 to index
        %get3A_365 = tpu.vector_load %arg18[%get3A_363, %get3A_364] {strides = array<i32>} : memref<3x4096xf32, #tpu.memory_space<vmem>>, vector<16xf32>,
        %shift_right_arithmetic3A_366 = arith.constant 1 : i32
        %shift_right_arithmetic3A_367 = arith.shrsi %add3A_354, %shift_right_arithmetic3A_366 : i32
        %add3A_368 = vector.broadcast %shift_right_arithmetic3A_367 : i32 to vector<16xi32>
        %add3A_369 = arith.addi %shift_right_arithmetic3A_11, %add3A_368 : vector<16xi32>
        tpu.vector_store_idx %arg20[%add3A_369, %and3A_13], %get3A_357 : memref<2048x8xf32, #tpu.memory_space<vmem>>[vector<16xi32>, vector<16xi32>], vector<16xf32>,
        %add3A_370 = arith.constant 2 : i32
        %add3A_371 = vector.broadcast %add3A_370 : i32 to vector<16xi32>
        %add3A_372 = arith.addi %and3A_13, %add3A_371 : vector<16xi32>
        tpu.vector_store_idx %arg20[%add3A_369, %add3A_372], %get3A_361 : memref<2048x8xf32, #tpu.memory_space<vmem>>[vector<16xi32>, vector<16xi32>], vector<16xf32>,
        %add3A_373 = arith.constant 4 : i32
        %add3A_374 = vector.broadcast %add3A_373 : i32 to vector<16xi32>
        %add3A_375 = arith.addi %and3A_13, %add3A_374 : vector<16xi32>
        tpu.vector_store_idx %arg20[%add3A_369, %add3A_375], %get3A_365 : memref<2048x8xf32, #tpu.memory_space<vmem>>[vector<16xi32>, vector<16xi32>], vector<16xf32>,
      }
      %scan3A_303 = arith.constant 256 : i32
      %mul3A_304 = arith.constant 4096 : i32
      %mul3A_305 = arith.muli %add3A_260, %mul3A_304 : i32
      %add3A_306 = arith.addi %mul3A_9, %mul3A_305 : i32
      %jit3A_307 = arith.constant 2 : i32
      %div3A_308 = arith.divsi %add3A_306, %jit3A_307 : i32
      %sign3A_309 = arith.constant 0 : i32
      %sign3A_310 = arith.cmpi sgt, %add3A_306, %sign3A_309 : i32
      %sign3A_311 = arith.extui %sign3A_310 : i1 to i32
      %sign3A_312 = arith.constant 0 : i32
      %sign3A_313 = arith.cmpi slt, %add3A_306, %sign3A_312 : i32
      %sign3A_314 = arith.extui %sign3A_313 : i1 to i32
      %sign3A_315 = arith.subi %sign3A_311, %sign3A_314 : i32
      %sign3A_316 = arith.constant 0 : i32
      %sign3A_317 = arith.cmpi sgt, %jit3A_307, %sign3A_316 : i32
      %sign3A_318 = arith.extui %sign3A_317 : i1 to i32
      %sign3A_319 = arith.constant 0 : i32
      %sign3A_320 = arith.cmpi slt, %jit3A_307, %sign3A_319 : i32
      %sign3A_321 = arith.extui %sign3A_320 : i1 to i32
      %sign3A_322 = arith.subi %sign3A_318, %sign3A_321 : i32
      %ne3A_323 = arith.cmpi ne, %sign3A_315, %sign3A_322 : i32
      %rem3A_324 = arith.remsi %add3A_306, %jit3A_307 : i32
      %ne3A_325 = arith.constant 0 : i32
      %ne3A_326 = arith.cmpi ne, %rem3A_324, %ne3A_325 : i32
      %and3A_327 = arith.andi %ne3A_323, %ne3A_326 : i1
      %sub3A_328 = arith.constant 1 : i32
      %sub3A_329 = arith.subi %div3A_308, %sub3A_328 : i32
      %select_n3A_330 = arith.select %and3A_327, %sub3A_329, %div3A_308 : i32
      %dma_start3A_331 = arith.constant 0 : i32
      %dma_start3A_332 = arith.constant 0 : i32
      %dma_start3A_333 = tpu.memref_slice %arg6[%arg0, %dma_start3A_331, %dma_start3A_332] : memref<2x524288x8xf32, #tpu.memory_space<hbm>> -> memref<1x524288x8xf32, #tpu.memory_space<hbm>>
      %dma_start3A_334 = tpu.memref_squeeze %dma_start3A_333 : memref<1x524288x8xf32, #tpu.memory_space<hbm>> -> memref<524288x8xf32, #tpu.memory_space<hbm>>
      %dma_start3A_335 = arith.constant 0 : i32
      %dma_start3A_336 = tpu.memref_slice %dma_start3A_334[%select_n3A_330, %dma_start3A_335] : memref<524288x8xf32, #tpu.memory_space<hbm>> -> memref<2048x8xf32, #tpu.memory_space<hbm>>
      %dma_start3A_337 = arith.constant 0 : i32
      %dma_start3A_338 = arith.constant 0 : i32
      %dma_start3A_339 = tpu.memref_slice %arg6[%arg0, %dma_start3A_337, %dma_start3A_338] : memref<2x524288x8xf32, #tpu.memory_space<hbm>> -> memref<1x524288x8xf32, #tpu.memory_space<hbm>>
      %dma_start3A_340 = tpu.memref_squeeze %dma_start3A_339 : memref<1x524288x8xf32, #tpu.memory_space<hbm>> -> memref<524288x8xf32, #tpu.memory_space<hbm>>
      %dma_start3A_341 = arith.constant 0 : i32
      %dma_start3A_342 = tpu.memref_slice %dma_start3A_340[%select_n3A_330, %dma_start3A_341] : memref<524288x8xf32, #tpu.memory_space<hbm>> -> memref<2048x8xf32, #tpu.memory_space<hbm>>
      tpu.enqueue_dma source(%arg20 : memref<2048x8xf32, #tpu.memory_space<vmem>>) target(%dma_start3A_342 : memref<2048x8xf32, #tpu.memory_space<hbm>>) target_semaphore(%arg28 : memref<!tpu.dma_semaphore, #tpu.memory_space<semaphore_mem>>)
      %add3A_343 = arith.constant 2 : i32
      %add3A_344 = arith.addi %add3A_260, %add3A_343 : i32
      %lt3A_345 = arith.constant 16 : i32
      %lt3A_346 = arith.cmpi slt, %add3A_344, %lt3A_345 : i32
      %convert_element_type3A_347 = arith.extui %lt3A_346 : i1 to i32
      %cond3A_348 = arith.constant 0 : i32
      %cond3A_349 = arith.cmpi ne, %convert_element_type3A_347, %cond3A_348 : i32
      scf.if %cond3A_349 {
        %add3A_350 = arith.constant 2 : i32
        %add3A_351 = arith.addi %add3A_260, %add3A_350 : i32
        %mul3A_352 = arith.constant 4096 : i32
        %mul3A_353 = arith.muli %add3A_351, %mul3A_352 : i32
        %add3A_354 = arith.addi %mul3A_9, %mul3A_353 : i32
        %add3A_355 = arith.constant 0 : i32
        %add3A_356 = arith.addi %add3A_355, %add3A_354 : i32
        %dma_start3A_357 = arith.constant 0 : i32
        %dma_start3A_358 = arith.constant 0 : i32
        %dma_start3A_359 = tpu.memref_slice %arg18[%dma_start3A_357, %dma_start3A_358] : memref<3x4096xf32, #tpu.memory_space<vmem>> -> memref<1x4096xf32, #tpu.memory_space<vmem>>
        %dma_start3A_360 = tpu.memref_squeeze %dma_start3A_359 : memref<1x4096xf32, #tpu.memory_space<vmem>> -> memref<4096xf32, #tpu.memory_space<vmem>>
        %dma_start3A_361 = tpu.memref_slice %arg2[%add3A_356] : memref<3145728xf32, #tpu.memory_space<hbm>> -> memref<4096xf32, #tpu.memory_space<hbm>>
        %dma_start3A_362 = arith.constant 0 : i32
        %dma_start3A_363 = tpu.memref_slice %arg18[%dma_start3A_357, %dma_start3A_362] : memref<3x4096xf32, #tpu.memory_space<vmem>> -> memref<1x4096xf32, #tpu.memory_space<vmem>>
        %dma_start3A_364 = tpu.memref_squeeze %dma_start3A_363 : memref<1x4096xf32, #tpu.memory_space<vmem>> -> memref<4096xf32, #tpu.memory_space<vmem>>
        %dma_start3A_365 = tpu.memref_slice %arg2[%add3A_356] : memref<3145728xf32, #tpu.memory_space<hbm>> -> memref<4096xf32, #tpu.memory_space<hbm>>
        tpu.enqueue_dma source(%dma_start3A_365 : memref<4096xf32, #tpu.memory_space<hbm>>) target(%dma_start3A_364 : memref<4096xf32, #tpu.memory_space<vmem>>) target_semaphore(%arg26 : memref<!tpu.dma_semaphore, #tpu.memory_space<semaphore_mem>>)
        %add3A_366 = arith.constant 1048576 : i32
        %add3A_367 = arith.addi %add3A_366, %add3A_354 : i32
        %dma_start3A_368 = arith.constant 1 : i32
        %dma_start3A_369 = arith.constant 0 : i32
        %dma_start3A_370 = tpu.memref_slice %arg18[%dma_start3A_368, %dma_start3A_369] : memref<3x4096xf32, #tpu.memory_space<vmem>> -> memref<1x4096xf32, #tpu.memory_space<vmem>>
        %dma_start3A_371 = tpu.memref_squeeze %dma_start3A_370 : memref<1x4096xf32, #tpu.memory_space<vmem>> -> memref<4096xf32, #tpu.memory_space<vmem>>
        %dma_start3A_372 = tpu.memref_slice %arg2[%add3A_367] : memref<3145728xf32, #tpu.memory_space<hbm>> -> memref<4096xf32, #tpu.memory_space<hbm>>
        %dma_start3A_373 = arith.constant 0 : i32
        %dma_start3A_374 = tpu.memref_slice %arg18[%dma_start3A_368, %dma_start3A_373] : memref<3x4096xf32, #tpu.memory_space<vmem>> -> memref<1x4096xf32, #tpu.memory_space<vmem>>
        %dma_start3A_375 = tpu.memref_squeeze %dma_start3A_374 : memref<1x4096xf32, #tpu.memory_space<vmem>> -> memref<4096xf32, #tpu.memory_space<vmem>>
        %dma_start3A_376 = tpu.memref_slice %arg2[%add3A_367] : memref<3145728xf32, #tpu.memory_space<hbm>> -> memref<4096xf32, #tpu.memory_space<hbm>>
        tpu.enqueue_dma source(%dma_start3A_376 : memref<4096xf32, #tpu.memory_space<hbm>>) target(%dma_start3A_375 : memref<4096xf32, #tpu.memory_space<vmem>>) target_semaphore(%arg26 : memref<!tpu.dma_semaphore, #tpu.memory_space<semaphore_mem>>)
        %add3A_377 = arith.constant 2097152 : i32
        %add3A_378 = arith.addi %add3A_377, %add3A_354 : i32
        %dma_start3A_379 = arith.constant 2 : i32
        %dma_start3A_380 = arith.constant 0 : i32
        %dma_start3A_381 = tpu.memref_slice %arg18[%dma_start3A_379, %dma_start3A_380] : memref<3x4096xf32, #tpu.memory_space<vmem>> -> memref<1x4096xf32, #tpu.memory_space<vmem>>
        %dma_start3A_382 = tpu.memref_squeeze %dma_start3A_381 : memref<1x4096xf32, #tpu.memory_space<vmem>> -> memref<4096xf32, #tpu.memory_space<vmem>>
        %dma_start3A_383 = tpu.memref_slice %arg2[%add3A_378] : memref<3145728xf32, #tpu.memory_space<hbm>> -> memref<4096xf32, #tpu.memory_space<hbm>>
        %dma_start3A_384 = arith.constant 0 : i32
        %dma_start3A_385 = tpu.memref_slice %arg18[%dma_start3A_379, %dma_start3A_384] : memref<3x4096xf32, #tpu.memory_space<vmem>> -> memref<1x4096xf32, #tpu.memory_space<vmem>>
        %dma_start3A_386 = tpu.memref_squeeze %dma_start3A_385 : memref<1x4096xf32, #tpu.memory_space<vmem>> -> memref<4096xf32, #tpu.memory_space<vmem>>
        %dma_start3A_387 = tpu.memref_slice %arg2[%add3A_378] : memref<3145728xf32, #tpu.memory_space<hbm>> -> memref<4096xf32, #tpu.memory_space<hbm>>
        tpu.enqueue_dma source(%dma_start3A_387 : memref<4096xf32, #tpu.memory_space<hbm>>) target(%dma_start3A_386 : memref<4096xf32, #tpu.memory_space<vmem>>) target_semaphore(%arg26 : memref<!tpu.dma_semaphore, #tpu.memory_space<semaphore_mem>>)
      } else {
      }
    }
    %scan3A_87 = arith.constant 8 : i32
    %dma_wait3A = arith.constant 0 : i32
    %dma_wait3A_88 = arith.constant 0 : i32
    %dma_wait3A_89 = tpu.memref_slice %arg6[%arg0, %dma_wait3A, %dma_wait3A_88] : memref<2x524288x8xf32, #tpu.memory_space<hbm>> -> memref<1x524288x8xf32, #tpu.memory_space<hbm>>
    %dma_wait3A_90 = tpu.memref_squeeze %dma_wait3A_89 : memref<1x524288x8xf32, #tpu.memory_space<hbm>> -> memref<524288x8xf32, #tpu.memory_space<hbm>>
    %dma_wait3A_91 = arith.constant 0 : i32
    %dma_wait3A_92 = arith.constant 0 : i32
    %dma_wait3A_93 = tpu.memref_slice %dma_wait3A_90[%dma_wait3A_91, %dma_wait3A_92] : memref<524288x8xf32, #tpu.memory_space<hbm>> -> memref<2048x8xf32, #tpu.memory_space<hbm>>
    %dma_wait3A_94 = arith.constant 0 : i32
    %dma_wait3A_95 = arith.constant 0 : i32
    %dma_wait3A_96 = tpu.memref_slice %arg6[%arg0, %dma_wait3A_94, %dma_wait3A_95] : memref<2x524288x8xf32, #tpu.memory_space<hbm>> -> memref<1x524288x8xf32, #tpu.memory_space<hbm>>
    %dma_wait3A_97 = tpu.memref_squeeze %dma_wait3A_96 : memref<1x524288x8xf32, #tpu.memory_space<hbm>> -> memref<524288x8xf32, #tpu.memory_space<hbm>>
    %dma_wait3A_98 = arith.constant 0 : i32
    %dma_wait3A_99 = arith.constant 0 : i32
    %dma_wait3A_100 = tpu.memref_slice %dma_wait3A_97[%dma_wait3A_98, %dma_wait3A_99] : memref<524288x8xf32, #tpu.memory_space<hbm>> -> memref<2048x8xf32, #tpu.memory_space<hbm>>
    tpu.wait_dma2 semaphore(%arg27 : memref<!tpu.dma_semaphore, #tpu.memory_space<semaphore_mem>>) src(%arg19 : memref<2048x8xf32, #tpu.memory_space<vmem>>) dst(%dma_wait3A_100 : memref<2048x8xf32, #tpu.memory_space<hbm>>)
    %dma_wait3A_101 = arith.constant 0 : i32
    %dma_wait3A_102 = arith.constant 0 : i32
    %dma_wait3A_103 = tpu.memref_slice %arg6[%arg0, %dma_wait3A_101, %dma_wait3A_102] : memref<2x524288x8xf32, #tpu.memory_space<hbm>> -> memref<1x524288x8xf32, #tpu.memory_space<hbm>>
    %dma_wait3A_104 = tpu.memref_squeeze %dma_wait3A_103 : memref<1x524288x8xf32, #tpu.memory_space<hbm>> -> memref<524288x8xf32, #tpu.memory_space<hbm>>
    %dma_wait3A_105 = arith.constant 0 : i32
    %dma_wait3A_106 = arith.constant 0 : i32
    %dma_wait3A_107 = tpu.memref_slice %dma_wait3A_104[%dma_wait3A_105, %dma_wait3A_106] : memref<524288x8xf32, #tpu.memory_space<hbm>> -> memref<2048x8xf32, #tpu.memory_space<hbm>>
    %dma_wait3A_108 = arith.constant 0 : i32
    %dma_wait3A_109 = arith.constant 0 : i32
    %dma_wait3A_110 = tpu.memref_slice %arg6[%arg0, %dma_wait3A_108, %dma_wait3A_109] : memref<2x524288x8xf32, #tpu.memory_space<hbm>> -> memref<1x524288x8xf32, #tpu.memory_space<hbm>>
    %dma_wait3A_111 = tpu.memref_squeeze %dma_wait3A_110 : memref<1x524288x8xf32, #tpu.memory_space<hbm>> -> memref<524288x8xf32, #tpu.memory_space<hbm>>
    %dma_wait3A_112 = arith.constant 0 : i32
    %dma_wait3A_113 = arith.constant 0 : i32
    %dma_wait3A_114 = tpu.memref_slice %dma_wait3A_111[%dma_wait3A_112, %dma_wait3A_113] : memref<524288x8xf32, #tpu.memory_space<hbm>> -> memref<2048x8xf32, #tpu.memory_space<hbm>>
    tpu.wait_dma2 semaphore(%arg28 : memref<!tpu.dma_semaphore, #tpu.memory_space<semaphore_mem>>) src(%arg20 : memref<2048x8xf32, #tpu.memory_space<vmem>>) dst(%dma_wait3A_114 : memref<2048x8xf32, #tpu.memory_space<hbm>>)
    %barrier3A = arith.constant 0 : index
    tpu.barrier barrier_id(%barrier3A)
    %dma_wait3A_115 = tpu.memref_slice %arg3[%mul3A_2] : memref<524288xi32, #tpu.memory_space<hbm>> -> memref<16384xi32, #tpu.memory_space<hbm>>
    %dma_wait3A_116 = tpu.memref_slice %arg3[%mul3A_2] : memref<524288xi32, #tpu.memory_space<hbm>> -> memref<16384xi32, #tpu.memory_space<hbm>>
    tpu.wait_dma2 semaphore(%arg22 : memref<!tpu.dma_semaphore, #tpu.memory_space<semaphore_mem>>) src(%dma_wait3A_116 : memref<16384xi32, #tpu.memory_space<hbm>>) dst(%arg7 : memref<16384xi32, #tpu.memory_space<vmem>>)
    %dma_wait3A_117 = tpu.memref_slice %arg4[%mul3A_2] : memref<524288xi32, #tpu.memory_space<hbm>> -> memref<16384xi32, #tpu.memory_space<hbm>>
    %dma_wait3A_118 = tpu.memref_slice %arg4[%mul3A_2] : memref<524288xi32, #tpu.memory_space<hbm>> -> memref<16384xi32, #tpu.memory_space<hbm>>
    tpu.wait_dma2 semaphore(%arg22 : memref<!tpu.dma_semaphore, #tpu.memory_space<semaphore_mem>>) src(%dma_wait3A_118 : memref<16384xi32, #tpu.memory_space<hbm>>) dst(%arg8 : memref<16384xi32, #tpu.memory_space<vmem>>)
    %scan3A_119 = arith.constant 0 : i32
    %scan3A_120 = arith.constant 8 : i32
    %scan3A_121 = arith.addi %scan3A_119, %scan3A_120 : i32
    %scan3A_122 = arith.constant 1 : i32
    scf.for %scan3A_174 = %scan3A_119 to %scan3A_121 step %scan3A_122  : i32 {
      %mul3A_175 = arith.constant 16 : i32
      %mul3A_176 = arith.muli %scan3A_174, %mul3A_175 : i32
      %add3A_177 = arith.constant 0 : i32
      %add3A_178 = arith.addi %add3A_177, %mul3A_176 : i32
      %add3A_179 = arith.constant 0 : i32
      %add3A_180 = arith.addi %add3A_179, %add3A_178 : i32
      %get3A = arith.index_cast %add3A_180 : i32 to index
      %get3A_181 = tpu.vector_load %arg7[%get3A] {strides = array<i32>} : memref<16384xi32, #tpu.memory_space<vmem>>, vector<16xi32>,
      %shift_right_arithmetic3A_182 = arith.constant 1 : i32
      %shift_right_arithmetic3A_183 = vector.broadcast %shift_right_arithmetic3A_182 : i32 to vector<16xi32>
      %shift_right_arithmetic3A_184 = arith.shrsi %get3A_181, %shift_right_arithmetic3A_183 : vector<16xi32>
      %swap3A_185 = arith.index_cast %add3A_178 : i32 to index
      %swap3A_186 = tpu.vector_load %arg9[%swap3A_185] {strides = array<i32>} : memref<128xi32, #tpu.memory_space<vmem>>, vector<16xi32>,
      tpu.vector_store %arg9[%swap3A_185], %shift_right_arithmetic3A_184 {strides = array<i32>} : memref<128xi32, #tpu.memory_space<vmem>>, vector<16xi32>,
      %add3A_187 = arith.constant 0 : i32
      %add3A_188 = arith.addi %add3A_187, %add3A_178 : i32
      %get3A_189 = arith.index_cast %add3A_188 : i32 to index
      %get3A_190 = tpu.vector_load %arg8[%get3A_189] {strides = array<i32>} : memref<16384xi32, #tpu.memory_space<vmem>>, vector<16xi32>,
      %shift_right_arithmetic3A_191 = arith.constant 1 : i32
      %shift_right_arithmetic3A_192 = vector.broadcast %shift_right_arithmetic3A_191 : i32 to vector<16xi32>
      %shift_right_arithmetic3A_193 = arith.shrsi %get3A_190, %shift_right_arithmetic3A_192 : vector<16xi32>
      %swap3A_194 = arith.index_cast %add3A_178 : i32 to index
      %swap3A_195 = tpu.vector_load %arg11[%swap3A_194] {strides = array<i32>} : memref<128xi32, #tpu.memory_space<vmem>>, vector<16xi32>,
      tpu.vector_store %arg11[%swap3A_194], %shift_right_arithmetic3A_193 {strides = array<i32>} : memref<128xi32, #tpu.memory_space<vmem>>, vector<16xi32>,
    }
    %scan3A_123 = arith.constant 8 : i32
    %dma_start3A_124 = arith.constant 0 : i32
    %dma_start3A_125 = arith.constant 0 : i32
    %dma_start3A_126 = tpu.memref_slice %arg6[%arg0, %dma_start3A_124, %dma_start3A_125] : memref<2x524288x8xf32, #tpu.memory_space<hbm>> -> memref<1x524288x8xf32, #tpu.memory_space<hbm>>
    %dma_start3A_127 = tpu.memref_squeeze %dma_start3A_126 : memref<1x524288x8xf32, #tpu.memory_space<hbm>> -> memref<524288x8xf32, #tpu.memory_space<hbm>>
    %dma_start3A_128 = arith.constant 0 : i32
    %dma_start3A_129 = arith.constant 0 : i32
    %dma_start3A_130 = tpu.memref_slice %dma_start3A_127[%dma_start3A_128, %dma_start3A_129] : memref<524288x8xf32, #tpu.memory_space<hbm>> -> memref<524288x8xf32, #tpu.memory_space<hbm>>
    tpu.enqueue_indirect_dma source(%dma_start3A_130 : memref<524288x8xf32, #tpu.memory_space<hbm>>) target(%arg13 : memref<128x8xf32, #tpu.memory_space<vmem>>) offsets(%arg9 : memref<128xi32, #tpu.memory_space<vmem>>) semaphore(%arg23 : memref<!tpu.dma_semaphore, #tpu.memory_space<semaphore_mem>>)
    %dma_start3A_131 = arith.constant 0 : i32
    %dma_start3A_132 = arith.constant 0 : i32
    %dma_start3A_133 = tpu.memref_slice %arg6[%arg0, %dma_start3A_131, %dma_start3A_132] : memref<2x524288x8xf32, #tpu.memory_space<hbm>> -> memref<1x524288x8xf32, #tpu.memory_space<hbm>>
    %dma_start3A_134 = tpu.memref_squeeze %dma_start3A_133 : memref<1x524288x8xf32, #tpu.memory_space<hbm>> -> memref<524288x8xf32, #tpu.memory_space<hbm>>
    %dma_start3A_135 = arith.constant 0 : i32
    %dma_start3A_136 = arith.constant 0 : i32
    %dma_start3A_137 = tpu.memref_slice %dma_start3A_134[%dma_start3A_135, %dma_start3A_136] : memref<524288x8xf32, #tpu.memory_space<hbm>> -> memref<524288x8xf32, #tpu.memory_space<hbm>>
    tpu.enqueue_indirect_dma source(%dma_start3A_137 : memref<524288x8xf32, #tpu.memory_space<hbm>>) target(%arg15 : memref<128x8xf32, #tpu.memory_space<vmem>>) offsets(%arg11 : memref<128xi32, #tpu.memory_space<vmem>>) semaphore(%arg23 : memref<!tpu.dma_semaphore, #tpu.memory_space<semaphore_mem>>)
    %scan3A_138 = arith.constant 0 : i32
    %scan3A_139 = arith.constant 8 : i32
    %scan3A_140 = arith.addi %scan3A_138, %scan3A_139 : i32
    %scan3A_141 = arith.constant 1 : i32
    scf.for %scan3A_174 = %scan3A_138 to %scan3A_140 step %scan3A_141  : i32 {
      %mul3A_175 = arith.constant 16 : i32
      %mul3A_176 = arith.muli %scan3A_174, %mul3A_175 : i32
      %add3A_177 = arith.constant 0 : i32
      %add3A_178 = arith.addi %add3A_177, %mul3A_176 : i32
      %add3A_179 = arith.constant 128 : i32
      %add3A_180 = arith.addi %add3A_179, %add3A_178 : i32
      %get3A = arith.index_cast %add3A_180 : i32 to index
      %get3A_181 = tpu.vector_load %arg7[%get3A] {strides = array<i32>} : memref<16384xi32, #tpu.memory_space<vmem>>, vector<16xi32>,
      %shift_right_arithmetic3A_182 = arith.constant 1 : i32
      %shift_right_arithmetic3A_183 = vector.broadcast %shift_right_arithmetic3A_182 : i32 to vector<16xi32>
      %shift_right_arithmetic3A_184 = arith.shrsi %get3A_181, %shift_right_arithmetic3A_183 : vector<16xi32>
      %swap3A_185 = arith.index_cast %add3A_178 : i32 to index
      %swap3A_186 = tpu.vector_load %arg10[%swap3A_185] {strides = array<i32>} : memref<128xi32, #tpu.memory_space<vmem>>, vector<16xi32>,
      tpu.vector_store %arg10[%swap3A_185], %shift_right_arithmetic3A_184 {strides = array<i32>} : memref<128xi32, #tpu.memory_space<vmem>>, vector<16xi32>,
      %add3A_187 = arith.constant 128 : i32
      %add3A_188 = arith.addi %add3A_187, %add3A_178 : i32
      %get3A_189 = arith.index_cast %add3A_188 : i32 to index
      %get3A_190 = tpu.vector_load %arg8[%get3A_189] {strides = array<i32>} : memref<16384xi32, #tpu.memory_space<vmem>>, vector<16xi32>,
      %shift_right_arithmetic3A_191 = arith.constant 1 : i32
      %shift_right_arithmetic3A_192 = vector.broadcast %shift_right_arithmetic3A_191 : i32 to vector<16xi32>
      %shift_right_arithmetic3A_193 = arith.shrsi %get3A_190, %shift_right_arithmetic3A_192 : vector<16xi32>
      %swap3A_194 = arith.index_cast %add3A_178 : i32 to index
      %swap3A_195 = tpu.vector_load %arg12[%swap3A_194] {strides = array<i32>} : memref<128xi32, #tpu.memory_space<vmem>>, vector<16xi32>,
      tpu.vector_store %arg12[%swap3A_194], %shift_right_arithmetic3A_193 {strides = array<i32>} : memref<128xi32, #tpu.memory_space<vmem>>, vector<16xi32>,
    }
    %scan3A_142 = arith.constant 8 : i32
    %dma_start3A_143 = arith.constant 0 : i32
    %dma_start3A_144 = arith.constant 0 : i32
    %dma_start3A_145 = tpu.memref_slice %arg6[%arg0, %dma_start3A_143, %dma_start3A_144] : memref<2x524288x8xf32, #tpu.memory_space<hbm>> -> memref<1x524288x8xf32, #tpu.memory_space<hbm>>
    %dma_start3A_146 = tpu.memref_squeeze %dma_start3A_145 : memref<1x524288x8xf32, #tpu.memory_space<hbm>> -> memref<524288x8xf32, #tpu.memory_space<hbm>>
    %dma_start3A_147 = arith.constant 0 : i32
    %dma_start3A_148 = arith.constant 0 : i32
    %dma_start3A_149 = tpu.memref_slice %dma_start3A_146[%dma_start3A_147, %dma_start3A_148] : memref<524288x8xf32, #tpu.memory_space<hbm>> -> memref<524288x8xf32, #tpu.memory_space<hbm>>
    tpu.enqueue_indirect_dma source(%dma_start3A_149 : memref<524288x8xf32, #tpu.memory_space<hbm>>) target(%arg14 : memref<128x8xf32, #tpu.memory_space<vmem>>) offsets(%arg10 : memref<128xi32, #tpu.memory_space<vmem>>) semaphore(%arg24 : memref<!tpu.dma_semaphore, #tpu.memory_space<semaphore_mem>>)
    %dma_start3A_150 = arith.constant 0 : i32
    %dma_start3A_151 = arith.constant 0 : i32
    %dma_start3A_152 = tpu.memref_slice %arg6[%arg0, %dma_start3A_150, %dma_start3A_151] : memref<2x524288x8xf32, #tpu.memory_space<hbm>> -> memref<1x524288x8xf32, #tpu.memory_space<hbm>>
    %dma_start3A_153 = tpu.memref_squeeze %dma_start3A_152 : memref<1x524288x8xf32, #tpu.memory_space<hbm>> -> memref<524288x8xf32, #tpu.memory_space<hbm>>
    %dma_start3A_154 = arith.constant 0 : i32
    %dma_start3A_155 = arith.constant 0 : i32
    %dma_start3A_156 = tpu.memref_slice %dma_start3A_153[%dma_start3A_154, %dma_start3A_155] : memref<524288x8xf32, #tpu.memory_space<hbm>> -> memref<524288x8xf32, #tpu.memory_space<hbm>>
    tpu.enqueue_indirect_dma source(%dma_start3A_156 : memref<524288x8xf32, #tpu.memory_space<hbm>>) target(%arg16 : memref<128x8xf32, #tpu.memory_space<vmem>>) offsets(%arg12 : memref<128xi32, #tpu.memory_space<vmem>>) semaphore(%arg24 : memref<!tpu.dma_semaphore, #tpu.memory_space<semaphore_mem>>)
    %scan3A_157 = arith.constant 0 : i32
    %scan3A_158 = arith.constant 64 : i32
    %scan3A_159 = arith.addi %scan3A_157, %scan3A_158 : i32
    %scan3A_160 = arith.constant 1 : i32
    scf.for %scan3A_174 = %scan3A_157 to %scan3A_159 step %scan3A_160  : i32 {
      %mul3A_175 = arith.constant 2 : i32
      %mul3A_176 = arith.muli %scan3A_174, %mul3A_175 : i32
      %add3A_177 = arith.constant 0 : i32
      %add3A_178 = arith.addi %add3A_177, %mul3A_176 : i32
      %add3A_179 = arith.constant 0 : i32
      %add3A_180 = arith.addi %add3A_178, %add3A_179 : i32
      %dma_wait3A_181 = arith.constant 0 : i32
      %dma_wait3A_182 = arith.constant 0 : i32
      %dma_wait3A_183 = tpu.memref_slice %arg6[%arg0, %dma_wait3A_181, %dma_wait3A_182] : memref<2x524288x8xf32, #tpu.memory_space<hbm>> -> memref<1x524288x8xf32, #tpu.memory_space<hbm>>
      %dma_wait3A_184 = tpu.memref_squeeze %dma_wait3A_183 : memref<1x524288x8xf32, #tpu.memory_space<hbm>> -> memref<524288x8xf32, #tpu.memory_space<hbm>>
      %dma_wait3A_185 = arith.constant 0 : i32
      %dma_wait3A_186 = arith.constant 0 : i32
      %dma_wait3A_187 = tpu.memref_slice %dma_wait3A_184[%dma_wait3A_185, %dma_wait3A_186] : memref<524288x8xf32, #tpu.memory_space<hbm>> -> memref<524288x8xf32, #tpu.memory_space<hbm>>
      tpu.wait_indirect_dma semaphore(%arg23 : memref<!tpu.dma_semaphore, #tpu.memory_space<semaphore_mem>>) src(%dma_wait3A_187 : memref<524288x8xf32, #tpu.memory_space<hbm>>) dst(%arg13 : memref<128x8xf32, #tpu.memory_space<vmem>>)
      %dma_wait3A_188 = arith.constant 0 : i32
      %dma_wait3A_189 = arith.constant 0 : i32
      %dma_wait3A_190 = tpu.memref_slice %arg6[%arg0, %dma_wait3A_188, %dma_wait3A_189] : memref<2x524288x8xf32, #tpu.memory_space<hbm>> -> memref<1x524288x8xf32, #tpu.memory_space<hbm>>
      %dma_wait3A_191 = tpu.memref_squeeze %dma_wait3A_190 : memref<1x524288x8xf32, #tpu.memory_space<hbm>> -> memref<524288x8xf32, #tpu.memory_space<hbm>>
      %dma_wait3A_192 = arith.constant 0 : i32
      %dma_wait3A_193 = arith.constant 0 : i32
      %dma_wait3A_194 = tpu.memref_slice %dma_wait3A_191[%dma_wait3A_192, %dma_wait3A_193] : memref<524288x8xf32, #tpu.memory_space<hbm>> -> memref<524288x8xf32, #tpu.memory_space<hbm>>
      tpu.wait_indirect_dma semaphore(%arg23 : memref<!tpu.dma_semaphore, #tpu.memory_space<semaphore_mem>>) src(%dma_wait3A_194 : memref<524288x8xf32, #tpu.memory_space<hbm>>) dst(%arg15 : memref<128x8xf32, #tpu.memory_space<vmem>>)
      %mul3A_195 = arith.constant 128 : i32
      %mul3A_196 = arith.muli %add3A_180, %mul3A_195 : i32
      %scan3A_197 = arith.constant 0 : i32
      %scan3A_198 = arith.constant 8 : i32
      %scan3A_199 = arith.addi %scan3A_197, %scan3A_198 : i32
      %scan3A_200 = arith.constant 1 : i32
      scf.for %scan3A_236 = %scan3A_197 to %scan3A_199 step %scan3A_200  : i32 {
        %mul3A_237 = arith.constant 16 : i32
        %mul3A_238 = arith.muli %scan3A_236, %mul3A_237 : i32
        %add3A_239 = arith.constant 0 : i32
        %add3A_240 = arith.addi %add3A_239, %mul3A_238 : i32
        %add3A_241 = vector.broadcast %add3A_240 : i32 to vector<16xi32>
        %add3A_242 = arith.addi %iota3A, %add3A_241 : vector<16xi32>
        %add3A_243 = arith.addi %mul3A_196, %add3A_240 : i32
        %get3A = arith.index_cast %add3A_243 : i32 to index
        %get3A_244 = tpu.vector_load %arg7[%get3A] {strides = array<i32>} : memref<16384xi32, #tpu.memory_space<vmem>>, vector<16xi32>,
        %and3A_245 = arith.constant 1 : i32
        %and3A_246 = vector.broadcast %and3A_245 : i32 to vector<16xi32>
        %and3A_247 = arith.andi %get3A_244, %and3A_246 : vector<16xi32>
        %add3A_248 = arith.addi %mul3A_196, %add3A_240 : i32
        %get3A_249 = arith.index_cast %add3A_248 : i32 to index
        %get3A_250 = tpu.vector_load %arg8[%get3A_249] {strides = array<i32>} : memref<16384xi32, #tpu.memory_space<vmem>>, vector<16xi32>,
        %and3A_251 = arith.constant 1 : i32
        %and3A_252 = vector.broadcast %and3A_251 : i32 to vector<16xi32>
        %and3A_253 = arith.andi %get3A_250, %and3A_252 : vector<16xi32>
        %gather3A = tpu.vector_load_idx %arg13[%add3A_242, %and3A_247] : memref<128x8xf32, #tpu.memory_space<vmem>>[vector<16xi32>, vector<16xi32>], vector<16xf32>,
        %add3A_254 = arith.constant 2 : i32
        %add3A_255 = vector.broadcast %add3A_254 : i32 to vector<16xi32>
        %add3A_256 = arith.addi %and3A_247, %add3A_255 : vector<16xi32>
        %gather3A_257 = tpu.vector_load_idx %arg13[%add3A_242, %add3A_256] : memref<128x8xf32, #tpu.memory_space<vmem>>[vector<16xi32>, vector<16xi32>], vector<16xf32>,
        %add3A_258 = arith.constant 4 : i32
        %add3A_259 = vector.broadcast %add3A_258 : i32 to vector<16xi32>
        %add3A_260 = arith.addi %and3A_247, %add3A_259 : vector<16xi32>
        %gather3A_261 = tpu.vector_load_idx %arg13[%add3A_242, %add3A_260] : memref<128x8xf32, #tpu.memory_space<vmem>>[vector<16xi32>, vector<16xi32>], vector<16xf32>,
        %gather3A_262 = tpu.vector_load_idx %arg15[%add3A_242, %and3A_253] : memref<128x8xf32, #tpu.memory_space<vmem>>[vector<16xi32>, vector<16xi32>], vector<16xf32>,
        %add3A_263 = arith.constant 2 : i32
        %add3A_264 = vector.broadcast %add3A_263 : i32 to vector<16xi32>
        %add3A_265 = arith.addi %and3A_253, %add3A_264 : vector<16xi32>
        %gather3A_266 = tpu.vector_load_idx %arg15[%add3A_242, %add3A_265] : memref<128x8xf32, #tpu.memory_space<vmem>>[vector<16xi32>, vector<16xi32>], vector<16xf32>,
        %add3A_267 = arith.constant 4 : i32
        %add3A_268 = vector.broadcast %add3A_267 : i32 to vector<16xi32>
        %add3A_269 = arith.addi %and3A_253, %add3A_268 : vector<16xi32>
        %gather3A_270 = tpu.vector_load_idx %arg15[%add3A_242, %add3A_269] : memref<128x8xf32, #tpu.memory_space<vmem>>[vector<16xi32>, vector<16xi32>], vector<16xf32>,
        %add3A_271 = arith.addf %gather3A_262, %gather3A : vector<16xf32>
        %sub3A = arith.subf %gather3A_266, %gather3A_257 : vector<16xf32>
        %sub3A_272 = arith.subf %gather3A_270, %gather3A_261 : vector<16xf32>
        %mul3A_273 = arith.mulf %add3A_271, %add3A_271 : vector<16xf32>
        %mul3A_274 = arith.mulf %sub3A, %sub3A : vector<16xf32>
        %add3A_275 = arith.addf %mul3A_273, %mul3A_274 : vector<16xf32>
        %mul3A_276 = arith.mulf %sub3A_272, %sub3A_272 : vector<16xf32>
        %add3A_277 = arith.addf %add3A_275, %mul3A_276 : vector<16xf32>
        %max3A = arith.constant 1.000000e-30 : f32
        %max3A_278 = vector.broadcast %max3A : f32 to vector<16xf32>
        %max3A_279 = arith.maximumf %add3A_277, %max3A_278 : vector<16xf32>
        %bitcast3A = vector.bitcast %max3A_279 : vector<16xf32> to vector<16xi32>
        %shift_right_arithmetic3A_280 = arith.constant 1 : i32
        %shift_right_arithmetic3A_281 = vector.broadcast %shift_right_arithmetic3A_280 : i32 to vector<16xi32>
        %shift_right_arithmetic3A_282 = arith.shrsi %bitcast3A, %shift_right_arithmetic3A_281 : vector<16xi32>
        %sub3A_283 = arith.constant 1597463007 : i32
        %sub3A_284 = vector.broadcast %sub3A_283 : i32 to vector<16xi32>
        %sub3A_285 = arith.subi %sub3A_284, %shift_right_arithmetic3A_282 : vector<16xi32>
        %bitcast3A_286 = vector.bitcast %sub3A_285 : vector<16xi32> to vector<16xf32>
        %mul3A_287 = arith.constant 5.000000e-01 : f32
        %mul3A_288 = vector.broadcast %mul3A_287 : f32 to vector<16xf32>
        %mul3A_289 = arith.mulf %mul3A_288, %max3A_279 : vector<16xf32>
        %mul3A_290 = arith.mulf %mul3A_289, %bitcast3A_286 : vector<16xf32>
        %mul3A_291 = arith.mulf %mul3A_290, %bitcast3A_286 : vector<16xf32>
        %sub3A_292 = arith.constant 1.500000e+00 : f32
        %sub3A_293 = vector.broadcast %sub3A_292 : f32 to vector<16xf32>
        %sub3A_294 = arith.subf %sub3A_293, %mul3A_291 : vector<16xf32>
        %mul3A_295 = arith.mulf %bitcast3A_286, %sub3A_294 : vector<16xf32>
        %mul3A_296 = arith.constant 5.000000e-01 : f32
        %mul3A_297 = vector.broadcast %mul3A_296 : f32 to vector<16xf32>
        %mul3A_298 = arith.mulf %mul3A_297, %max3A_279 : vector<16xf32>
        %mul3A_299 = arith.mulf %mul3A_298, %mul3A_295 : vector<16xf32>
        %mul3A_300 = arith.mulf %mul3A_299, %mul3A_295 : vector<16xf32>
        %sub3A_301 = arith.constant 1.500000e+00 : f32
        %sub3A_302 = vector.broadcast %sub3A_301 : f32 to vector<16xf32>
        %sub3A_303 = arith.subf %sub3A_302, %mul3A_300 : vector<16xf32>
        %mul3A_304 = arith.mulf %mul3A_295, %sub3A_303 : vector<16xf32>
        %get3A_305 = arith.constant 0 : index
        %get3A_306 = tpu.vector_load %arg21[%get3A_305] {strides = array<i32>} : memref<16xf32, #tpu.memory_space<vmem>>, vector<16xf32>,
        %mul3A_307 = arith.mulf %max3A_279, %mul3A_304 : vector<16xf32>
        %add3A_308 = arith.addf %get3A_306, %mul3A_307 : vector<16xf32>
        %swap3A_309 = arith.constant 0 : index
        %swap3A_310 = tpu.vector_load %arg21[%swap3A_309] {strides = array<i32>} : memref<16xf32, #tpu.memory_space<vmem>>, vector<16xf32>,
        tpu.vector_store %arg21[%swap3A_309], %add3A_308 {strides = array<i32>} : memref<16xf32, #tpu.memory_space<vmem>>, vector<16xf32>,
      }
      %scan3A_201 = arith.constant 8 : i32
      %add3A_202 = arith.constant 2 : i32
      %add3A_203 = arith.addi %add3A_180, %add3A_202 : i32
      %lt3A = arith.constant 128 : i32
      %lt3A_204 = arith.cmpi slt, %add3A_203, %lt3A : i32
      %convert_element_type3A = arith.extui %lt3A_204 : i1 to i32
      %cond3A = arith.constant 0 : i32
      %cond3A_205 = arith.cmpi ne, %convert_element_type3A, %cond3A : i32
      scf.if %cond3A_205 {
        %add3A_236 = arith.constant 2 : i32
        %add3A_237 = arith.addi %add3A_180, %add3A_236 : i32
        %mul3A_238 = arith.constant 128 : i32
        %mul3A_239 = arith.muli %add3A_237, %mul3A_238 : i32
        %scan3A_240 = arith.constant 0 : i32
        %scan3A_241 = arith.constant 8 : i32
        %scan3A_242 = arith.addi %scan3A_240, %scan3A_241 : i32
        %scan3A_243 = arith.constant 1 : i32
        scf.for %scan3A_259 = %scan3A_240 to %scan3A_242 step %scan3A_243  : i32 {
          %mul3A_260 = arith.constant 16 : i32
          %mul3A_261 = arith.muli %scan3A_259, %mul3A_260 : i32
          %add3A_262 = arith.constant 0 : i32
          %add3A_263 = arith.addi %add3A_262, %mul3A_261 : i32
          %add3A_264 = arith.addi %mul3A_239, %add3A_263 : i32
          %get3A = arith.index_cast %add3A_264 : i32 to index
          %get3A_265 = tpu.vector_load %arg7[%get3A] {strides = array<i32>} : memref<16384xi32, #tpu.memory_space<vmem>>, vector<16xi32>,
          %shift_right_arithmetic3A_266 = arith.constant 1 : i32
          %shift_right_arithmetic3A_267 = vector.broadcast %shift_right_arithmetic3A_266 : i32 to vector<16xi32>
          %shift_right_arithmetic3A_268 = arith.shrsi %get3A_265, %shift_right_arithmetic3A_267 : vector<16xi32>
          %swap3A_269 = arith.index_cast %add3A_263 : i32 to index
          %swap3A_270 = tpu.vector_load %arg9[%swap3A_269] {strides = array<i32>} : memref<128xi32, #tpu.memory_space<vmem>>, vector<16xi32>,
          tpu.vector_store %arg9[%swap3A_269], %shift_right_arithmetic3A_268 {strides = array<i32>} : memref<128xi32, #tpu.memory_space<vmem>>, vector<16xi32>,
          %add3A_271 = arith.addi %mul3A_239, %add3A_263 : i32
          %get3A_272 = arith.index_cast %add3A_271 : i32 to index
          %get3A_273 = tpu.vector_load %arg8[%get3A_272] {strides = array<i32>} : memref<16384xi32, #tpu.memory_space<vmem>>, vector<16xi32>,
          %shift_right_arithmetic3A_274 = arith.constant 1 : i32
          %shift_right_arithmetic3A_275 = vector.broadcast %shift_right_arithmetic3A_274 : i32 to vector<16xi32>
          %shift_right_arithmetic3A_276 = arith.shrsi %get3A_273, %shift_right_arithmetic3A_275 : vector<16xi32>
          %swap3A_277 = arith.index_cast %add3A_263 : i32 to index
          %swap3A_278 = tpu.vector_load %arg11[%swap3A_277] {strides = array<i32>} : memref<128xi32, #tpu.memory_space<vmem>>, vector<16xi32>,
          tpu.vector_store %arg11[%swap3A_277], %shift_right_arithmetic3A_276 {strides = array<i32>} : memref<128xi32, #tpu.memory_space<vmem>>, vector<16xi32>,
        }
        %scan3A_244 = arith.constant 8 : i32
        %dma_start3A_245 = arith.constant 0 : i32
        %dma_start3A_246 = arith.constant 0 : i32
        %dma_start3A_247 = tpu.memref_slice %arg6[%arg0, %dma_start3A_245, %dma_start3A_246] : memref<2x524288x8xf32, #tpu.memory_space<hbm>> -> memref<1x524288x8xf32, #tpu.memory_space<hbm>>
        %dma_start3A_248 = tpu.memref_squeeze %dma_start3A_247 : memref<1x524288x8xf32, #tpu.memory_space<hbm>> -> memref<524288x8xf32, #tpu.memory_space<hbm>>
        %dma_start3A_249 = arith.constant 0 : i32
        %dma_start3A_250 = arith.constant 0 : i32
        %dma_start3A_251 = tpu.memref_slice %dma_start3A_248[%dma_start3A_249, %dma_start3A_250] : memref<524288x8xf32, #tpu.memory_space<hbm>> -> memref<524288x8xf32, #tpu.memory_space<hbm>>
        tpu.enqueue_indirect_dma source(%dma_start3A_251 : memref<524288x8xf32, #tpu.memory_space<hbm>>) target(%arg13 : memref<128x8xf32, #tpu.memory_space<vmem>>) offsets(%arg9 : memref<128xi32, #tpu.memory_space<vmem>>) semaphore(%arg23 : memref<!tpu.dma_semaphore, #tpu.memory_space<semaphore_mem>>)
        %dma_start3A_252 = arith.constant 0 : i32
        %dma_start3A_253 = arith.constant 0 : i32
        %dma_start3A_254 = tpu.memref_slice %arg6[%arg0, %dma_start3A_252, %dma_start3A_253] : memref<2x524288x8xf32, #tpu.memory_space<hbm>> -> memref<1x524288x8xf32, #tpu.memory_space<hbm>>
        %dma_start3A_255 = tpu.memref_squeeze %dma_start3A_254 : memref<1x524288x8xf32, #tpu.memory_space<hbm>> -> memref<524288x8xf32, #tpu.memory_space<hbm>>
        %dma_start3A_256 = arith.constant 0 : i32
        %dma_start3A_257 = arith.constant 0 : i32
        %dma_start3A_258 = tpu.memref_slice %dma_start3A_255[%dma_start3A_256, %dma_start3A_257] : memref<524288x8xf32, #tpu.memory_space<hbm>> -> memref<524288x8xf32, #tpu.memory_space<hbm>>
        tpu.enqueue_indirect_dma source(%dma_start3A_258 : memref<524288x8xf32, #tpu.memory_space<hbm>>) target(%arg15 : memref<128x8xf32, #tpu.memory_space<vmem>>) offsets(%arg11 : memref<128xi32, #tpu.memory_space<vmem>>) semaphore(%arg23 : memref<!tpu.dma_semaphore, #tpu.memory_space<semaphore_mem>>)
      } else {
      }
      %add3A_206 = arith.constant 1 : i32
      %add3A_207 = arith.addi %add3A_178, %add3A_206 : i32
      %dma_wait3A_208 = arith.constant 0 : i32
      %dma_wait3A_209 = arith.constant 0 : i32
      %dma_wait3A_210 = tpu.memref_slice %arg6[%arg0, %dma_wait3A_208, %dma_wait3A_209] : memref<2x524288x8xf32, #tpu.memory_space<hbm>> -> memref<1x524288x8xf32, #tpu.memory_space<hbm>>
      %dma_wait3A_211 = tpu.memref_squeeze %dma_wait3A_210 : memref<1x524288x8xf32, #tpu.memory_space<hbm>> -> memref<524288x8xf32, #tpu.memory_space<hbm>>
      %dma_wait3A_212 = arith.constant 0 : i32
      %dma_wait3A_213 = arith.constant 0 : i32
      %dma_wait3A_214 = tpu.memref_slice %dma_wait3A_211[%dma_wait3A_212, %dma_wait3A_213] : memref<524288x8xf32, #tpu.memory_space<hbm>> -> memref<524288x8xf32, #tpu.memory_space<hbm>>
      tpu.wait_indirect_dma semaphore(%arg24 : memref<!tpu.dma_semaphore, #tpu.memory_space<semaphore_mem>>) src(%dma_wait3A_214 : memref<524288x8xf32, #tpu.memory_space<hbm>>) dst(%arg14 : memref<128x8xf32, #tpu.memory_space<vmem>>)
      %dma_wait3A_215 = arith.constant 0 : i32
      %dma_wait3A_216 = arith.constant 0 : i32
      %dma_wait3A_217 = tpu.memref_slice %arg6[%arg0, %dma_wait3A_215, %dma_wait3A_216] : memref<2x524288x8xf32, #tpu.memory_space<hbm>> -> memref<1x524288x8xf32, #tpu.memory_space<hbm>>
      %dma_wait3A_218 = tpu.memref_squeeze %dma_wait3A_217 : memref<1x524288x8xf32, #tpu.memory_space<hbm>> -> memref<524288x8xf32, #tpu.memory_space<hbm>>
      %dma_wait3A_219 = arith.constant 0 : i32
      %dma_wait3A_220 = arith.constant 0 : i32
      %dma_wait3A_221 = tpu.memref_slice %dma_wait3A_218[%dma_wait3A_219, %dma_wait3A_220] : memref<524288x8xf32, #tpu.memory_space<hbm>> -> memref<524288x8xf32, #tpu.memory_space<hbm>>
      tpu.wait_indirect_dma semaphore(%arg24 : memref<!tpu.dma_semaphore, #tpu.memory_space<semaphore_mem>>) src(%dma_wait3A_221 : memref<524288x8xf32, #tpu.memory_space<hbm>>) dst(%arg16 : memref<128x8xf32, #tpu.memory_space<vmem>>)
      %mul3A_222 = arith.constant 128 : i32
      %mul3A_223 = arith.muli %add3A_207, %mul3A_222 : i32
      %scan3A_224 = arith.constant 0 : i32
      %scan3A_225 = arith.constant 8 : i32
      %scan3A_226 = arith.addi %scan3A_224, %scan3A_225 : i32
      %scan3A_227 = arith.constant 1 : i32
      scf.for %scan3A_236 = %scan3A_224 to %scan3A_226 step %scan3A_227  : i32 {
        %mul3A_237 = arith.constant 16 : i32
        %mul3A_238 = arith.muli %scan3A_236, %mul3A_237 : i32
        %add3A_239 = arith.constant 0 : i32
        %add3A_240 = arith.addi %add3A_239, %mul3A_238 : i32
        %add3A_241 = vector.broadcast %add3A_240 : i32 to vector<16xi32>
        %add3A_242 = arith.addi %iota3A, %add3A_241 : vector<16xi32>
        %add3A_243 = arith.addi %mul3A_223, %add3A_240 : i32
        %get3A = arith.index_cast %add3A_243 : i32 to index
        %get3A_244 = tpu.vector_load %arg7[%get3A] {strides = array<i32>} : memref<16384xi32, #tpu.memory_space<vmem>>, vector<16xi32>,
        %and3A_245 = arith.constant 1 : i32
        %and3A_246 = vector.broadcast %and3A_245 : i32 to vector<16xi32>
        %and3A_247 = arith.andi %get3A_244, %and3A_246 : vector<16xi32>
        %add3A_248 = arith.addi %mul3A_223, %add3A_240 : i32
        %get3A_249 = arith.index_cast %add3A_248 : i32 to index
        %get3A_250 = tpu.vector_load %arg8[%get3A_249] {strides = array<i32>} : memref<16384xi32, #tpu.memory_space<vmem>>, vector<16xi32>,
        %and3A_251 = arith.constant 1 : i32
        %and3A_252 = vector.broadcast %and3A_251 : i32 to vector<16xi32>
        %and3A_253 = arith.andi %get3A_250, %and3A_252 : vector<16xi32>
        %gather3A = tpu.vector_load_idx %arg14[%add3A_242, %and3A_247] : memref<128x8xf32, #tpu.memory_space<vmem>>[vector<16xi32>, vector<16xi32>], vector<16xf32>,
        %add3A_254 = arith.constant 2 : i32
        %add3A_255 = vector.broadcast %add3A_254 : i32 to vector<16xi32>
        %add3A_256 = arith.addi %and3A_247, %add3A_255 : vector<16xi32>
        %gather3A_257 = tpu.vector_load_idx %arg14[%add3A_242, %add3A_256] : memref<128x8xf32, #tpu.memory_space<vmem>>[vector<16xi32>, vector<16xi32>], vector<16xf32>,
        %add3A_258 = arith.constant 4 : i32
        %add3A_259 = vector.broadcast %add3A_258 : i32 to vector<16xi32>
        %add3A_260 = arith.addi %and3A_247, %add3A_259 : vector<16xi32>
        %gather3A_261 = tpu.vector_load_idx %arg14[%add3A_242, %add3A_260] : memref<128x8xf32, #tpu.memory_space<vmem>>[vector<16xi32>, vector<16xi32>], vector<16xf32>,
        %gather3A_262 = tpu.vector_load_idx %arg16[%add3A_242, %and3A_253] : memref<128x8xf32, #tpu.memory_space<vmem>>[vector<16xi32>, vector<16xi32>], vector<16xf32>,
        %add3A_263 = arith.constant 2 : i32
        %add3A_264 = vector.broadcast %add3A_263 : i32 to vector<16xi32>
        %add3A_265 = arith.addi %and3A_253, %add3A_264 : vector<16xi32>
        %gather3A_266 = tpu.vector_load_idx %arg16[%add3A_242, %add3A_265] : memref<128x8xf32, #tpu.memory_space<vmem>>[vector<16xi32>, vector<16xi32>], vector<16xf32>,
        %add3A_267 = arith.constant 4 : i32
        %add3A_268 = vector.broadcast %add3A_267 : i32 to vector<16xi32>
        %add3A_269 = arith.addi %and3A_253, %add3A_268 : vector<16xi32>
        %gather3A_270 = tpu.vector_load_idx %arg16[%add3A_242, %add3A_269] : memref<128x8xf32, #tpu.memory_space<vmem>>[vector<16xi32>, vector<16xi32>], vector<16xf32>,
        %add3A_271 = arith.addf %gather3A_262, %gather3A : vector<16xf32>
        %sub3A = arith.subf %gather3A_266, %gather3A_257 : vector<16xf32>
        %sub3A_272 = arith.subf %gather3A_270, %gather3A_261 : vector<16xf32>
        %mul3A_273 = arith.mulf %add3A_271, %add3A_271 : vector<16xf32>
        %mul3A_274 = arith.mulf %sub3A, %sub3A : vector<16xf32>
        %add3A_275 = arith.addf %mul3A_273, %mul3A_274 : vector<16xf32>
        %mul3A_276 = arith.mulf %sub3A_272, %sub3A_272 : vector<16xf32>
        %add3A_277 = arith.addf %add3A_275, %mul3A_276 : vector<16xf32>
        %max3A = arith.constant 1.000000e-30 : f32
        %max3A_278 = vector.broadcast %max3A : f32 to vector<16xf32>
        %max3A_279 = arith.maximumf %add3A_277, %max3A_278 : vector<16xf32>
        %bitcast3A = vector.bitcast %max3A_279 : vector<16xf32> to vector<16xi32>
        %shift_right_arithmetic3A_280 = arith.constant 1 : i32
        %shift_right_arithmetic3A_281 = vector.broadcast %shift_right_arithmetic3A_280 : i32 to vector<16xi32>
        %shift_right_arithmetic3A_282 = arith.shrsi %bitcast3A, %shift_right_arithmetic3A_281 : vector<16xi32>
        %sub3A_283 = arith.constant 1597463007 : i32
        %sub3A_284 = vector.broadcast %sub3A_283 : i32 to vector<16xi32>
        %sub3A_285 = arith.subi %sub3A_284, %shift_right_arithmetic3A_282 : vector<16xi32>
        %bitcast3A_286 = vector.bitcast %sub3A_285 : vector<16xi32> to vector<16xf32>
        %mul3A_287 = arith.constant 5.000000e-01 : f32
        %mul3A_288 = vector.broadcast %mul3A_287 : f32 to vector<16xf32>
        %mul3A_289 = arith.mulf %mul3A_288, %max3A_279 : vector<16xf32>
        %mul3A_290 = arith.mulf %mul3A_289, %bitcast3A_286 : vector<16xf32>
        %mul3A_291 = arith.mulf %mul3A_290, %bitcast3A_286 : vector<16xf32>
        %sub3A_292 = arith.constant 1.500000e+00 : f32
        %sub3A_293 = vector.broadcast %sub3A_292 : f32 to vector<16xf32>
        %sub3A_294 = arith.subf %sub3A_293, %mul3A_291 : vector<16xf32>
        %mul3A_295 = arith.mulf %bitcast3A_286, %sub3A_294 : vector<16xf32>
        %mul3A_296 = arith.constant 5.000000e-01 : f32
        %mul3A_297 = vector.broadcast %mul3A_296 : f32 to vector<16xf32>
        %mul3A_298 = arith.mulf %mul3A_297, %max3A_279 : vector<16xf32>
        %mul3A_299 = arith.mulf %mul3A_298, %mul3A_295 : vector<16xf32>
        %mul3A_300 = arith.mulf %mul3A_299, %mul3A_295 : vector<16xf32>
        %sub3A_301 = arith.constant 1.500000e+00 : f32
        %sub3A_302 = vector.broadcast %sub3A_301 : f32 to vector<16xf32>
        %sub3A_303 = arith.subf %sub3A_302, %mul3A_300 : vector<16xf32>
        %mul3A_304 = arith.mulf %mul3A_295, %sub3A_303 : vector<16xf32>
        %get3A_305 = arith.constant 0 : index
        %get3A_306 = tpu.vector_load %arg21[%get3A_305] {strides = array<i32>} : memref<16xf32, #tpu.memory_space<vmem>>, vector<16xf32>,
        %mul3A_307 = arith.mulf %max3A_279, %mul3A_304 : vector<16xf32>
        %add3A_308 = arith.addf %get3A_306, %mul3A_307 : vector<16xf32>
        %swap3A_309 = arith.constant 0 : index
        %swap3A_310 = tpu.vector_load %arg21[%swap3A_309] {strides = array<i32>} : memref<16xf32, #tpu.memory_space<vmem>>, vector<16xf32>,
        tpu.vector_store %arg21[%swap3A_309], %add3A_308 {strides = array<i32>} : memref<16xf32, #tpu.memory_space<vmem>>, vector<16xf32>,
      }
      %scan3A_228 = arith.constant 8 : i32
      %add3A_229 = arith.constant 2 : i32
      %add3A_230 = arith.addi %add3A_207, %add3A_229 : i32
      %lt3A_231 = arith.constant 128 : i32
      %lt3A_232 = arith.cmpi slt, %add3A_230, %lt3A_231 : i32
      %convert_element_type3A_233 = arith.extui %lt3A_232 : i1 to i32
      %cond3A_234 = arith.constant 0 : i32
      %cond3A_235 = arith.cmpi ne, %convert_element_type3A_233, %cond3A_234 : i32
      scf.if %cond3A_235 {
        %add3A_236 = arith.constant 2 : i32
        %add3A_237 = arith.addi %add3A_207, %add3A_236 : i32
        %mul3A_238 = arith.constant 128 : i32
        %mul3A_239 = arith.muli %add3A_237, %mul3A_238 : i32
        %scan3A_240 = arith.constant 0 : i32
        %scan3A_241 = arith.constant 8 : i32
        %scan3A_242 = arith.addi %scan3A_240, %scan3A_241 : i32
        %scan3A_243 = arith.constant 1 : i32
        scf.for %scan3A_259 = %scan3A_240 to %scan3A_242 step %scan3A_243  : i32 {
          %mul3A_260 = arith.constant 16 : i32
          %mul3A_261 = arith.muli %scan3A_259, %mul3A_260 : i32
          %add3A_262 = arith.constant 0 : i32
          %add3A_263 = arith.addi %add3A_262, %mul3A_261 : i32
          %add3A_264 = arith.addi %mul3A_239, %add3A_263 : i32
          %get3A = arith.index_cast %add3A_264 : i32 to index
          %get3A_265 = tpu.vector_load %arg7[%get3A] {strides = array<i32>} : memref<16384xi32, #tpu.memory_space<vmem>>, vector<16xi32>,
          %shift_right_arithmetic3A_266 = arith.constant 1 : i32
          %shift_right_arithmetic3A_267 = vector.broadcast %shift_right_arithmetic3A_266 : i32 to vector<16xi32>
          %shift_right_arithmetic3A_268 = arith.shrsi %get3A_265, %shift_right_arithmetic3A_267 : vector<16xi32>
          %swap3A_269 = arith.index_cast %add3A_263 : i32 to index
          %swap3A_270 = tpu.vector_load %arg10[%swap3A_269] {strides = array<i32>} : memref<128xi32, #tpu.memory_space<vmem>>, vector<16xi32>,
          tpu.vector_store %arg10[%swap3A_269], %shift_right_arithmetic3A_268 {strides = array<i32>} : memref<128xi32, #tpu.memory_space<vmem>>, vector<16xi32>,
          %add3A_271 = arith.addi %mul3A_239, %add3A_263 : i32
          %get3A_272 = arith.index_cast %add3A_271 : i32 to index
          %get3A_273 = tpu.vector_load %arg8[%get3A_272] {strides = array<i32>} : memref<16384xi32, #tpu.memory_space<vmem>>, vector<16xi32>,
          %shift_right_arithmetic3A_274 = arith.constant 1 : i32
          %shift_right_arithmetic3A_275 = vector.broadcast %shift_right_arithmetic3A_274 : i32 to vector<16xi32>
          %shift_right_arithmetic3A_276 = arith.shrsi %get3A_273, %shift_right_arithmetic3A_275 : vector<16xi32>
          %swap3A_277 = arith.index_cast %add3A_263 : i32 to index
          %swap3A_278 = tpu.vector_load %arg12[%swap3A_277] {strides = array<i32>} : memref<128xi32, #tpu.memory_space<vmem>>, vector<16xi32>,
          tpu.vector_store %arg12[%swap3A_277], %shift_right_arithmetic3A_276 {strides = array<i32>} : memref<128xi32, #tpu.memory_space<vmem>>, vector<16xi32>,
        }
        %scan3A_244 = arith.constant 8 : i32
        %dma_start3A_245 = arith.constant 0 : i32
        %dma_start3A_246 = arith.constant 0 : i32
        %dma_start3A_247 = tpu.memref_slice %arg6[%arg0, %dma_start3A_245, %dma_start3A_246] : memref<2x524288x8xf32, #tpu.memory_space<hbm>> -> memref<1x524288x8xf32, #tpu.memory_space<hbm>>
        %dma_start3A_248 = tpu.memref_squeeze %dma_start3A_247 : memref<1x524288x8xf32, #tpu.memory_space<hbm>> -> memref<524288x8xf32, #tpu.memory_space<hbm>>
        %dma_start3A_249 = arith.constant 0 : i32
        %dma_start3A_250 = arith.constant 0 : i32
        %dma_start3A_251 = tpu.memref_slice %dma_start3A_248[%dma_start3A_249, %dma_start3A_250] : memref<524288x8xf32, #tpu.memory_space<hbm>> -> memref<524288x8xf32, #tpu.memory_space<hbm>>
        tpu.enqueue_indirect_dma source(%dma_start3A_251 : memref<524288x8xf32, #tpu.memory_space<hbm>>) target(%arg14 : memref<128x8xf32, #tpu.memory_space<vmem>>) offsets(%arg10 : memref<128xi32, #tpu.memory_space<vmem>>) semaphore(%arg24 : memref<!tpu.dma_semaphore, #tpu.memory_space<semaphore_mem>>)
        %dma_start3A_252 = arith.constant 0 : i32
        %dma_start3A_253 = arith.constant 0 : i32
        %dma_start3A_254 = tpu.memref_slice %arg6[%arg0, %dma_start3A_252, %dma_start3A_253] : memref<2x524288x8xf32, #tpu.memory_space<hbm>> -> memref<1x524288x8xf32, #tpu.memory_space<hbm>>
        %dma_start3A_255 = tpu.memref_squeeze %dma_start3A_254 : memref<1x524288x8xf32, #tpu.memory_space<hbm>> -> memref<524288x8xf32, #tpu.memory_space<hbm>>
        %dma_start3A_256 = arith.constant 0 : i32
        %dma_start3A_257 = arith.constant 0 : i32
        %dma_start3A_258 = tpu.memref_slice %dma_start3A_255[%dma_start3A_256, %dma_start3A_257] : memref<524288x8xf32, #tpu.memory_space<hbm>> -> memref<524288x8xf32, #tpu.memory_space<hbm>>
        tpu.enqueue_indirect_dma source(%dma_start3A_258 : memref<524288x8xf32, #tpu.memory_space<hbm>>) target(%arg16 : memref<128x8xf32, #tpu.memory_space<vmem>>) offsets(%arg12 : memref<128xi32, #tpu.memory_space<vmem>>) semaphore(%arg24 : memref<!tpu.dma_semaphore, #tpu.memory_space<semaphore_mem>>)
      } else {
      }
    }
    %scan3A_161 = arith.constant 64 : i32
    %dma_start3A_162 = arith.constant 0 : i32
    %dma_start3A_163 = tpu.memref_slice %arg5[%add3A, %dma_start3A_162] : memref<32x16xf32, #tpu.memory_space<hbm>> -> memref<1x16xf32, #tpu.memory_space<hbm>>
    %dma_start3A_164 = tpu.memref_squeeze %dma_start3A_163 : memref<1x16xf32, #tpu.memory_space<hbm>> -> memref<16xf32, #tpu.memory_space<hbm>>
    %dma_start3A_165 = arith.constant 0 : i32
    %dma_start3A_166 = tpu.memref_slice %arg5[%add3A, %dma_start3A_165] : memref<32x16xf32, #tpu.memory_space<hbm>> -> memref<1x16xf32, #tpu.memory_space<hbm>>
    %dma_start3A_167 = tpu.memref_squeeze %dma_start3A_166 : memref<1x16xf32, #tpu.memory_space<hbm>> -> memref<16xf32, #tpu.memory_space<hbm>>
    tpu.enqueue_dma source(%arg21 : memref<16xf32, #tpu.memory_space<vmem>>) target(%dma_start3A_167 : memref<16xf32, #tpu.memory_space<hbm>>) target_semaphore(%arg22 : memref<!tpu.dma_semaphore, #tpu.memory_space<semaphore_mem>>)
    %dma_wait3A_168 = arith.constant 0 : i32
    %dma_wait3A_169 = tpu.memref_slice %arg5[%add3A, %dma_wait3A_168] : memref<32x16xf32, #tpu.memory_space<hbm>> -> memref<1x16xf32, #tpu.memory_space<hbm>>
    %dma_wait3A_170 = tpu.memref_squeeze %dma_wait3A_169 : memref<1x16xf32, #tpu.memory_space<hbm>> -> memref<16xf32, #tpu.memory_space<hbm>>
    %dma_wait3A_171 = arith.constant 0 : i32
    %dma_wait3A_172 = tpu.memref_slice %arg5[%add3A, %dma_wait3A_171] : memref<32x16xf32, #tpu.memory_space<hbm>> -> memref<1x16xf32, #tpu.memory_space<hbm>>
    %dma_wait3A_173 = tpu.memref_squeeze %dma_wait3A_172 : memref<1x16xf32, #tpu.memory_space<hbm>> -> memref<16xf32, #tpu.memory_space<hbm>>
    tpu.wait_dma2 semaphore(%arg22 : memref<!tpu.dma_semaphore, #tpu.memory_space<semaphore_mem>>) src(%arg21 : memref<16xf32, #tpu.memory_space<vmem>>) dst(%dma_wait3A_173 : memref<16xf32, #tpu.memory_space<hbm>>)
    return
  }
}

</mosaic_0001>

<sc_bundles>
// kernel: kernel.3.cloned.1.call-start
scs
__scs_entry_jumppad:
0x0: {  	(pc) =	sbr.rel $0x88, $3  }
0x1: {  	(tag) =	ssettag $0x0;
	lr =	simm.s32 $0x1  }
0x2: {  	[smem:$0x3F9F] =	sst lr;
	_ =	strace $0xD0000000  }
0x3: {  	_ = 	snop  }
0x4: {  	_ = 	snop  }
0x5: {  	_ = 	snop  }
0x6: {  	_ = 	snop  }
0x7: {  	_ = 	snop  }
__scs_overlays_trampoline_lowered:
0x8: {  	[smem:$0x3FAE] =	sst s0  }
0x9: {  	[smem:$0x3FAF] =	sst s1  }
0xa: {  	[smem:$0x3FB0] =	sst s2  }
0xb: {  	[smem:$0x3FB1] =	sst s3  }
0xc: {  	[smem:$0x3FB2] =	sst s4  }
0xd: {  	[smem:$0x3FB3] =	sst s5  }
0xe: {  	[smem:$0x3FB4] =	sst s6  }
0xf: {  	[smem:$0x3FB5] =	sst s7  }
0x10: {  	[smem:$0x3FB6] =	sst s8  }
0x11: {  	[smem:$0x3FB7] =	sst s9;
	s0 =	simm.s32 @!p0 $0x0  }
0x12: {  	s1 =	sld [smem:$0x3F9D];
	s0 =	simm.s32 @p0 $0x1  }
0x13: {  	[smem:$0x3FB8] =	sst s0;
	s0 =	simm.s32 @!p1 $0x0  }
0x14: {  	s2 =	sld [smem:$0x3F9C];
	s0 =	simm.s32 @p1 $0x1  }
0x15: {  	[smem:$0x3FB9] =	sst s0;
	s0 =	simm.s32 @!p2 $0x0  }
0x16: {  	s3 =	sld [smem:$0x3FDB];
	s0 =	simm.s32 @p2 $0x1  }
0x17: {  	s4 =	simm.s32 $0x1BF5;
	[smem:$0x3FBB] =	sst s0  }
0x18: {  	s0 =	sld [smem:$0x3F9E];
	_ =	swait.ge [sflag:s4], $0x0  }
0x19: {  	s7 =	sld [smem:$0x3F9F]  }
0x1a: {  	s8 =	sadd.s32 $0xFFFFE003, lr  }
0x1b: {  	s9 =	sadd.s32 $0xFFFFFEF7, lr;
	s5 =	simm.s32 $0xFFFFFFFF;
	p2 =	slt.u32 s8, $0xFFFFF086  }
0x1c: {  	p1 =	slt.u32 s9, $0xF7A;
	s5 =	simm.s32 @!p2 $0x0  }
0x1d: {  	s5 =	simm.s32 @p1 $0x1;
	p0 =	seq.s32 s7, s2  }
0x1e: {  	s7 =	smul.u32 @!p0 $0xF7A, s2;
	p2 =	seq.s32 @!p0 s5, $0x0  }
0x1f: {  	s9 =	smul.u32 $0xF7A, s1;
	s8 =	simm.s32 @!p0 $0x1BF5;
	p2 =	por !p2, p0  }
0x20: {  	[sflag:s8] =	ssyncset.s32 @!p0 $0xFFFFF086;
	s6 =	sadd.s32 @!p0 s3, s7;
	s7 =	simm.s32 @!p0 $0x108  }
0x21: {  	s3 =	sadd.s32 s3, s9;
	s6 =	sadd.s32 @!p0 $0x88, s6;
	s7 =	simm.s32 @p2 $0x1082  }
0x22: {  	[simem:s7], [sflag:s8] =	dma.local @!p0 [hbm:s6], $0xF7A  }
0x23: {  	s9 =	sor.u32 $0xD0000000, s2;
	s6 =	simm.s32 $0x108;
	_ =	swait.ge @!p0 [sflag:s8], $0x0  }
0x24: {  	s3 =	sadd.s32 $0x88, s3;
	s6 =	simm.s32 @!p1 $0x1082;
	[sflag:s4] =	ssyncset.s32 $0xFFFFF086  }
0x25: {  	[simem:s6], [sflag:s4] =	dma.local [hbm:s3], $0xF7A  }
0x26: {  	[smem:$0x3F9F] =	sst s1;
	(tag) =	ssettag s2;
	_ =	strace s9  }
0x27: {  	s1 =	sld [smem:$0x3FAF]  }
0x28: {  	s2 =	sld [smem:$0x3FB0]  }
0x29: {  	s4 =	sld [smem:$0x3FB2]  }
0x2a: {  	p0 =	seq.s32 s5, $0x0;
	s5 =	sld [smem:$0x3FB3]  }
0x2b: {  	s6 =	sld [smem:$0x3FB4]  }
0x2c: {  	s7 =	sld [smem:$0x3FB5]  }
0x2d: {  	s3 =	simm.s32 $0x108;
	s8 =	sld [smem:$0x3FB6]  }
0x2e: {  	s3 =	simm.s32 @!p0 $0x1082;
	s9 =	sld [smem:$0x3FB7]  }
0x2f: {  	lr =	sadd.s32 s0, s3;
	s0 =	sld [smem:$0x3FAE]  }
0x30: {  	s3 =	sld [smem:$0x3FB1]  }
0x31: {  	[smem:$0x3FBA] =	sst s10  }
0x32: {  	s10 =	sld [smem:$0x3FB8];
	_ =	sdelay $0x3  }
0x33: {  	p0 =	seq.s32 s10, $0x1;
	s10 =	sld [smem:$0x3FBA];
	_ =	sdelay $0x3  }
0x34: {  	[smem:$0x3FBA] =	sst s10  }
0x35: {  	s10 =	sld [smem:$0x3FB9];
	_ =	sdelay $0x3  }
0x36: {  	p1 =	seq.s32 s10, $0x1;
	s10 =	sld [smem:$0x3FBA];
	_ =	sdelay $0x3  }
0x37: {  	[smem:$0x3FBA] =	sst s10  }
0x38: {  	s10 =	sld [smem:$0x3FBB]  }
0x39: {  	_ = 	snop;
	(pc) =	sbr.ind lr, $3  }
0x3a: {  	_ = 	snop  }
0x3b: {  	_ = 	snop  }
0x3c: {  	p2 =	seq.s32 s10, $0x1;
	s10 =	sld [smem:$0x3FBA]  }
0x3d: {  	_ =	shalt  }
0x3e: {  	_ =	shalt  }
0x3f: {  	_ =	shalt  }
0x40: {  	_ =	shalt  }
0x41: {  	_ =	shalt  }
0x42: {  	_ =	shalt  }
0x43: {  	_ =	shalt  }
0x44: {  	_ =	shalt  }
0x45: {  	_ =	shalt  }
0x46: {  	_ =	shalt  }
0x47: {  	_ =	shalt  }
0x48: {  	_ =	shalt  }
0x49: {  	_ =	shalt  }
0x4a: {  	_ =	shalt  }
0x4b: {  	_ =	shalt  }
0x4c: {  	_ =	shalt  }
0x4d: {  	_ =	shalt  }
0x4e: {  	_ =	shalt  }
0x4f: {  	_ =	shalt  }
0x50: {  	_ =	shalt  }
0x51: {  	_ =	shalt  }
0x52: {  	_ =	shalt  }
0x53: {  	_ =	shalt  }
0x54: {  	_ =	shalt  }
0x55: {  	_ =	shalt  }
0x56: {  	_ =	shalt  }
0x57: {  	_ =	shalt  }
0x58: {  	_ =	shalt  }
0x59: {  	_ =	shalt  }
0x5a: {  	_ =	shalt  }
0x5b: {  	_ =	shalt  }
0x5c: {  	_ =	shalt  }
0x5d: {  	_ =	shalt  }
0x5e: {  	_ =	shalt  }
0x5f: {  	_ =	shalt  }
0x60: {  	_ =	shalt  }
0x61: {  	_ =	shalt  }
0x62: {  	_ =	shalt  }
0x63: {  	_ =	shalt  }
0x64: {  	_ =	shalt  }
0x65: {  	_ =	shalt  }
0x66: {  	_ =	shalt  }
0x67: {  	_ =	shalt  }
0x68: {  	_ =	shalt  }
0x69: {  	_ =	shalt  }
0x6a: {  	_ =	shalt  }
0x6b: {  	_ =	shalt  }
0x6c: {  	_ =	shalt  }
0x6d: {  	_ =	shalt  }
0x6e: {  	_ =	shalt  }
0x6f: {  	_ =	shalt  }
0x70: {  	_ =	shalt  }
0x71: {  	_ =	shalt  }
0x72: {  	_ =	shalt  }
0x73: {  	_ =	shalt  }
0x74: {  	_ =	shalt  }
0x75: {  	_ =	shalt  }
0x76: {  	_ =	shalt  }
0x77: {  	_ =	shalt  }
0x78: {  	_ =	shalt  }
0x79: {  	_ =	shalt  }
0x7a: {  	_ =	shalt  }
0x7b: {  	_ =	shalt  }
0x7c: {  	_ =	shalt  }
0x7d: {  	_ =	shalt  }
0x7e: {  	_ =	shalt  }
0x7f: {  	_ =	shalt  }
0x80: {  	_ =	shalt  }
0x81: {  	_ =	shalt  }
0x82: {  	_ =	shalt  }
0x83: {  	_ =	shalt  }
0x84: {  	_ =	shalt  }
0x85: {  	_ =	shalt  }
0x86: {  	_ =	shalt  }
0x87: {  	_ =	shalt  }
.Lfunc_end0:
.L_simem_size_0:
called_computation_lowered:
.L_overlay_start_0:
0x88: {  	s2 =	sld [smem:$0x3FD9]  }
0x89: {  	s3 =	sld [smem:$0x3FFE];
	_ =	sdelay $0x1  }
0x8a: {  	s1 =	srdreg.scid  }
0x8b: {  	s0 =	sand.u32 $0x1, s1  }
0x8c: {  	s16 =	sshll.u32 s0, $0xA;
	s2 =	sadd.s32 s3, s2  }
0x8d: {  	s2 =	sadd.s32 s2, s16  }
0x8e: {  	[smem:$0x3FC6] =	sst s2  }
0x8f: {  	_ = 	snop  }
0x90: {  	(tm) =	ssettm $0x1  }
0x91: {  	s17 =	sld [smem:$0x3FFB];
	_ =	sdelay $0x3  }
0x92: {  	_ =	strace s17  }
0x93: {  	s2 =	sld [smem:$0x3FFC];
	_ =	sdelay $0x3  }
0x94: {  	_ =	strace s2  }
0x95: {  	s2 =	sld [smem:$0x3FFD];
	_ =	sdelay $0x3  }
0x96: {  	_ =	strace s2  }
0x97: {  	_ =	strace $0x8FFFFFFF  }
0x98: {  	s18 =	sld [smem:$0x3FDB];
	_ =	sdelay $0x1  }
0x99: {  	s19 =	simm.s32 $_scs_section_size  }
0x9a: {  	s4 =	simm.s32 $_size__tile_overlayer_lowered;
	s5 =	simm.s32 $_tile_overlayer_lowered  }
0x9b: {  	s22 =	simm.s32 $0x1BFF;
	s21 =	sshll.u32 s5, $0x1;
	s2 =	sadd.s32 s19, s18  }
0x9c: {  	s6 =	simm.s32 $0x0;
	s20 =	sshll.u32 s4, $0x1;
	s4 =	sadd.s32 s21, s2  }
0x9d: {  	[timem:s6], [sflag:s22] =	dma.local [hbm:s4], s20  }
0x9e: {  	_ =	swait.ge [sflag:s22], s20  }
0x9f: {  	s3 =	ssub.s32 $0x0, s20;
	[sflag:s22] =	ssyncset.done $0x0  }
0xa0: {  	[sflag:s22] =	ssyncadd.s32 s3;
	_ =	sdelay $0x1  }
0xa1: {  	s23 =	simm.s32 $0x1B8B  }
0xa2: {  	_ =	swait.ge [sflag:s23], $0x1  }
0xa3: {  	[sflag:s23] =	ssyncset.done $0x0  }
0xa4: {  	s25 =	simm.s32 $0x1B8E;
	s24 =	sld [smem:$0x3FFE];
	[sflag:s23] =	ssyncadd.s32 $0xFFFFFFFF  }
0xa5: {  	s26 =	simm.s32 $execute0_lowered;
	[smem:$0x3FD2] =	sst s25  }
0xa6: {  	s4 =	sshll.u32 s26, $0x1;
	_ =	strace $0x80000046;
	[dreg:$0x1] =	wrdreg $0xFFFFFFFF  }
0xa7: {  	s28 =	simm.s32 $_size_execute0_lowered;
	s2 =	sadd.s32 s2, s4;
	[dreg:$0x0] =	wrdreg $0x0  }
0xa8: {  	s4 =	sshll.u32 s28, $0x1;
	[dreg:$0x2] =	wrdreg s2  }
0xa9: {  	[dreg:$0x3] =	wrdreg s4  }
0xaa: {  	[dreg:$0x4] =	wrdreg $0xC0  }
0xab: {  	_ =	task [dreg:s6], $0x5FFFF  }
0xac: {  	[dreg:$0x1] =	wrdreg $0xFFFFFFFF  }
0xad: {  	[dreg:$0x0] =	wrdreg $0x60  }
0xae: {  	[dreg:$0x2] =	wrdreg s24  }
0xaf: {  	[dreg:$0x3] =	wrdreg $0x9  }
0xb0: {  	_ =	task.clear_ibuf [dreg:s6], $0x4FFFF;
	_ =	strace $0x90000046  }
0xb1: {  	s29 =	simm.s32 $0x9;
	_ =	strace $0x80000048  }
0xb2: {  	_ =	swait.ge [sflag:s29], $0x1  }
0xb3: {  	[sflag:s29] =	ssyncadd.s32 $0xFFFFFFFF  }
0xb4: {  	_ =	strace $0x90000048  }
0xb5: {  	_ =	sfence  }
0xb6: {  	s30 =	sld [smem:$0x0];
	_ =	sdelay $0x2  }
0xb7: {  	s31 =	sshll.u32 s1, $0xD;
	s1 =	sshrl.u32 s1, $0x2  }
0xb8: {  	s3 =	sand.u32 $0x4000, s31;
	s1 =	sadd.s32 s1, s30  }
0xb9: {  	s0 =	sor.u32 s3, s0;
	s1 =	sshll.u32 s1, $0x11  }
0xba: {  	s0 =	sor.u32 s1, s0  }
0xbb: {  	s0 =	sadd.s32 $0x8F2B, s0  }
0xbc: {  	[sflag:s0] =	ssyncadd.remote.s32 $0x1  }
0xbd: {  	_ =	sfence.sel $0xFFFF  }
0xbe: {  	[dreg:$0x0] =	wrdreg $0xFFFFFFFF;
	(pc) =	sbr.abs _section_cstart, $3  }
0xbf: {  	[dreg:$0x1] =	wrdreg $0xFFFFFFFF  }
0xc0: {  	_ =	task.clear_ibuf [dreg:s6], $0x2FFFF;
	_ =	strace $0x9FFFFFFF  }
0xc1: {  	(tm) =	ssettm $0x7FFFFFFF  }
tec
execute0_lowered:
.L_overlay_start_1:
0x0: {  	(tag) =	ssettag $0x1  }
0x1: {  	s0 =	rddreg [dreg:$0x0]  }
0x2: {  	s1 =	srdreg.scid;
	s9 =	stileid.u32;
	s2 =	simm.s32 $0x0  }
0x3: {  	s28 =	simm.s32 $0x4;
	s29 =	simm.s32 $0xF200;
	s30 =	simm.s32 $0x5  }
0x4: {  	s31 =	simm.s32 $0x13200;
	s11 =	simm.s32 $0x2;
	s12 =	simm.s32 $0x3  }
0x5: {  	s13 =	simm.s32 $0x80;
	s1 =	sand.u32 $0x1, s1;
	s3 =	sshll.u32 s9, $0x1  }
0x6: {  	[smem:$0x7FF] =	sst s2;
	s19 =	sshll.u32 s9, $0xD;
	s8 =	sshll.u32 s9, $0x10  }
0x7: {  	s15 =	sshll.u32 s9, $0xF;
	s9 =	simm.s32 $0x8180;
	s4 =	sor.u32 s1, s3  }
0x8: {  	_ =	strace $0x80000047;
	s3 =	sadd.s32 $0x20000, s0;
	s6 =	sshll.u32 s1, $0x13  }
0x9: {  	s1 =	ssub.s32 $0x2, s1;
	s16 =	sor.u32 $0x2000, s8;
	s17 =	sor.u32 $0x3000, s8  }
0xa: {  	s5 =	sshll.u32 s4, $0x1;
	s4 =	sshll.u32 s4, $0xB;
	s10 =	sadd.s32 s3, s19  }
0xb: {  	s6 =	sadd.s32 s6, s0;
	s18 =	sadd.s32 s0, s4;
	[dreg:$0x4] =	wrdreg s10  }
0xc: {  	s7 =	sshrl.u32 s1, $0x1;
	s20 =	sadd.s32 $0x20000, s10;
	[dreg:$0x2] =	wrdreg s18  }
0xd: {  	s5 =	sadd.s32 s5, s0;
	s22 =	sadd.s32 $0x200, s10;
	[dreg:$0x5] =	wrdreg s20  }
0xe: {  	s1 =	ssub.s32 s1, s7;
	s23 =	sadd.s32 $0x20200, s10;
	[dreg:$0x7] =	wrdreg s22  }
0xf: {  	s24 =	sadd.s32 $0x40200, s10;
	s14 =	sadd.s32 $0x80000, s6;
	[dreg:$0x8] =	wrdreg s23  }
0x10: {  	s10 =	simm.s32 $0x8E00;
	s7 =	sadd.s32 $0x10000, s18;
	[dreg:$0x9] =	wrdreg s24  }
0x11: {  	s25 =	sadd.s32 $0x180000, s5;
	s26 =	smax.u32 s1, $0x1;
	s20 =	simm.s32 $0xC200  }
.Ltmp0:
0x12: {  	s24 =	simm.s32 $0xD200;
	s22 =	simm.s32 $0x8200;
	(pc) =	sbr.rel .LBB2_1-.Ltmp0, $4  }
0x13: {  	s23 =	simm.s32 $0x8080;
	s5 =	simm.s32 $0x8600;
	[dreg:$0x3] =	wrdreg s7  }
0x14: {  	v5 =	vlaneseq.u32;
	v0 =	vimm.f32 $0.0e+00;
	s1 =	simm.s32 $0x0;
	s7 =	sadd.s32 $0x60000, s0;
	[dreg:$0xa] =	wrdreg s25  }
0x15: {  	v1 =	vshrl.u32 v5, $0x1;
	v2 =	vand.u32 $0x1, v5;
	v5 =	vmul.u32 $0x8, v5;
	[dreg:$0xb] =	wrdreg s26;
	s25 =	simm.s32 $0xE200;
	s21 =	sadd.s32 s19, s7  }
0x16: {  	v1 =	vmul.u32 $0x8, v1;
	v3 =	vor.u32 $0x2, v2;
	v4 =	vor.u32 $0x4, v2;
	s26 =	simm.s32 $0x1;
	[dreg:$0x6] =	wrdreg s21;
	s21 =	simm.s32 $0x8A00  }
.LBB2_15:
0x17: {  	s0 =	rddreg [dreg:$0xa];
	s1 =	simm.s32 $0x17200;
	s26 =	simm.s32 $0x1  }
0x18: {  	[hbm4b:s0+s2] =	stream.linear.scatter [tilespmem:s1], [sflag:$0x1], $0x10, $0x38;
	[tilespmem:$0x17210] =	vst v63  }
0x19: {  	_ =	swait.ge [sflag:s26], $0x10  }
0x1a: {  	s24 =	rddreg [dreg:$0xc]  }
0x1b: {  	s25 =	rddreg [dreg:$0xb];
	s1 =	sadd.s32 $0x1, s24  }
0x1c: {  	p0 =	sne.s32 s1, s25  }
.Ltmp1:
0x1d: {  	_ = 	snop;
	(pc) =	sbr.rel @!p0 .LBB2_16-.Ltmp1, $3  }
0x1e: {  	_ =	sdelay $0x1  }
0x1f: {  	s20 =	simm.s32 $0xC200;
	[sflag:s26] =	ssyncset.done $0x0  }
0x20: {  	[sflag:s26] =	ssyncadd.s32 $0xFFFFFFF0;
	s24 =	simm.s32 $0xD200;
	s25 =	simm.s32 $0xE200  }
.LBB2_1:
0x21: {  	[dreg:$0xc] =	wrdreg s1  }
0x22: {  	[tilespmem:$0x17200] =	vst v0;
	s0 =	rddreg [dreg:$0x3]  }
0x23: {  	[tilespmem:s2], [sflag:$0x1] =	stream.linear.gather [hbm4b:s0+s2], $0x4000, $0x38;
	[tilespmem:$0x17210] =	vst v63  }
0x24: {  	s18 =	rddreg [dreg:$0x2];
	s19 =	simm.s32 $0x4000  }
0x25: {  	[tilespmem:s19], [sflag:$0x1] =	stream.linear.gather [hbm4b:s18+s2], $0x4000, $0x38;
	[tilespmem:$0x17210] =	vst v63  }
0x26: {  	s4 =	rddreg [dreg:$0x4];
	s6 =	simm.s32 $0x9200  }
0x27: {  	[tilespmem:s6], [sflag:$0x4] =	stream.linear.gather [hbm4b:s4+s2], $0x1000, $0x38;
	[tilespmem:$0x17210] =	vst v63  }
0x28: {  	s18 =	rddreg [dreg:$0x5];
	s19 =	simm.s32 $0xA200  }
0x29: {  	[tilespmem:s19], [sflag:$0x4] =	stream.linear.gather [hbm4b:s18+s2], $0x1000, $0x38;
	[tilespmem:$0x17210] =	vst v63  }
0x2a: {  	s1 =	rddreg [dreg:$0x6];
	s4 =	simm.s32 $0xB200  }
0x2b: {  	[tilespmem:s4], [sflag:$0x4] =	stream.linear.gather [hbm4b:s1+s2], $0x1000, $0x38;
	[tilespmem:$0x17210] =	vst v63  }
0x2c: {  	s6 =	rddreg [dreg:$0x7]  }
0x2d: {  	[tilespmem:s20], [sflag:$0x5] =	stream.linear.gather [hbm4b:s6+s2], $0x1000, $0x38;
	[tilespmem:$0x17210] =	vst v63  }
0x2e: {  	s18 =	rddreg [dreg:$0x8]  }
0x2f: {  	[tilespmem:s24], [sflag:$0x5] =	stream.linear.gather [hbm4b:s18+s2], $0x1000, $0x38;
	[tilespmem:$0x17210] =	vst v63  }
0x30: {  	s0 =	simm.s32 $0x0;
	s19 =	rddreg [dreg:$0x9]  }
0x31: {  	[tilespmem:s25], [sflag:$0x5] =	stream.linear.gather [hbm4b:s19+s2], $0x1000, $0x38;
	[tilespmem:$0x17210] =	vst v63  }
.LBB2_2:
0x32: {  	_ =	swait.ge [sflag:s28], $0x1000  }
0x33: {  	[sflag:s28] =	ssyncset.done $0x0  }
0x34: {  	[sflag:s28] =	ssyncadd.s32 $0xFFFFF000  }
0x35: {  	_ =	swait.ge [sflag:s28], $0x1000  }
0x36: {  	[sflag:s28] =	ssyncset.done $0x0  }
0x37: {  	[sflag:s28] =	ssyncadd.s32 $0xFFFFF000  }
0x38: {  	_ =	swait.ge [sflag:s28], $0x1000  }
0x39: {  	p0 =	seq.s32 s0, $0x0;
	[sflag:s28] =	ssyncset.done $0x0  }
0x3a: {  	s4 =	simm.s32 $0x0;
	s1 =	simm.s32 @!p0 $0x6;
	[sflag:s28] =	ssyncadd.s32 $0xFFFFF000  }
0x3b: {  	v6 =	vmov s4;
	_ =	swait.ge @!p0 [sflag:s1], $0x4000  }
0x3c: {  	v6 =	vshll.u32 v6, $0x3;
	[sflag:s1] =	ssyncset.done @!p0 $0x0  }
0x3d: {  	s4 =	simm.s32 $0xB200;
	v7 =	vor.u32 v1, v6;
	[sflag:s1] =	ssyncadd.s32 @!p0 $0xFFFFC000  }
0x3e: {  	v9 =	vor.u32 v2, v7;
	v8 =	vld [tilespmem:s4+$0xFFFFE000]  }
0x3f: {  	v11 =	vor.u32 v3, v7;
	v10 =	vld [tilespmem:s4+$0xFFFFF000];
	_ =	sdelay $0x1  }
0x40: {  	v7 =	vor.u32 v4, v7;
	v6 =	vld [tilespmem:s4+$0x0]  }
0x41: {  	s19 =	simm.s32 $0x8  }
0x42: {  	v12 =	vmov s19;
	[tilespmem:v9+s29+$0x0] =	vst.idx.msk $0xffff, v8  }
0x43: {  	s6 =	simm.s32 $0x10;
	s1 =	sshll.u32 s0, $0xD;
	v8 =	vshll.u32 v12, $0x3;
	[tilespmem:v11+s29+$0x0] =	vst.idx.msk $0xffff, v10  }
.LBB2_3:
0x44: {  	p1 =	sne.s32 s6, $0x7F8  }
0x45: {  	v8 =	vor.u32 v1, v8;
	[tilespmem:v7+s29+$0x0] =	vst.idx.msk $0xffff, v6;
	s4 =	sadd.s32 $0x10, s4;
	s18 =	smov.u32 s6;
	s6 =	sadd.s32 $0x8, s6  }
0x46: {  	v9 =	vld [tilespmem:s4+$0xFFFFE000];
	v10 =	vor.u32 v2, v8  }
0x47: {  	v12 =	vor.u32 v3, v8;
	v11 =	vld [tilespmem:s4+$0xFFFFF000]  }
.Ltmp2:
0x48: {  	v7 =	vor.u32 v4, v8;
	v6 =	vld [tilespmem:s4+$0x0];
	(pc) =	sbr.rel @p1 .LBB2_3-.Ltmp2, $3  }
0x49: {  	_ =	sdelay $0x1  }
0x4a: {  	v8 =	vmov s18;
	[tilespmem:v10+s29+$0x0] =	vst.idx.msk $0xffff, v9  }
0x4b: {  	v8 =	vshll.u32 v8, $0x3;
	[tilespmem:v12+s29+$0x0] =	vst.idx.msk $0xffff, v11  }
0x4c: {  	_ =	sdelay $0x3  }
0x4d: {  	v8 =	vor.u32 v1, v8;
	[tilespmem:v7+s29+$0x0] =	vst.idx.msk $0xffff, v6;
	s4 =	sadd.s32 $0x10, s4  }
0x4e: {  	v6 =	vld [tilespmem:s4+$0xFFFFE000];
	v7 =	vor.u32 v2, v8  }
0x4f: {  	v9 =	vld [tilespmem:s4+$0xFFFFF000];
	v10 =	vor.u32 v3, v8  }
0x50: {  	v11 =	vld [tilespmem:s4+$0x0];
	v8 =	vor.u32 v4, v8;
	_ =	sdelay $0x2  }
0x51: {  	s6 =	sshll.u32 s0, $0xC;
	[tilespmem:v7+s29+$0x0] =	vst.idx.msk $0xffff, v6  }
0x52: {  	s4 =	sadd.s32 s15, s6;
	[tilespmem:v10+s29+$0x0] =	vst.idx.msk $0xffff, v9  }
0x53: {  	p1 =	seq.s32 s0, $0x7;
	s4 =	sadd.s32 s14, s4;
	[tilespmem:v8+s29+$0x0] =	vst.idx.msk $0xffff, v11  }
0x54: {  	[hbm4b:s4+s2] =	stream.linear.scatter [tilespmem:s29], [sflag:$0x6], $0x4000, $0x38;
	[tilespmem:$0x17210] =	vst v63  }
0x55: {  	s4 =	sadd.s32 @!p1 s1, s16  }
0x56: {  	s4 =	sshrl.u32 @!p1 s4, $0x3  }
0x57: {  	s18 =	simm.s32 @!p1 $0x0;
	s19 =	simm.s32 @!p1 $0x9200;
	s6 =	sadd.s32 @!p1 s3, s4  }
0x58: {  	[tilespmem:s19], [sflag:$0x4] =	stream.linear.gather @!p1 [hbm4b:s6+s18], $0x1000, $0x38;
	[tilespmem:$0x17210] =	vst v63  }
0x59: {  	s6 =	sadd.s32 @!p1 $0x20000, s6;
	s19 =	simm.s32 @!p1 $0xA200  }
0x5a: {  	[tilespmem:s19], [sflag:$0x4] =	stream.linear.gather @!p1 [hbm4b:s6+s18], $0x1000, $0x38;
	[tilespmem:$0x17210] =	vst v63  }
0x5b: {  	s4 =	sadd.s32 @!p1 s4, s7;
	s6 =	simm.s32 @!p1 $0xB200  }
0x5c: {  	[tilespmem:s6], [sflag:$0x4] =	stream.linear.gather @!p1 [hbm4b:s4+s18], $0x1000, $0x38;
	[tilespmem:$0x17210] =	vst v63  }
0x5d: {  	_ =	swait.ge [sflag:s30], $0x1000  }
0x5e: {  	[sflag:s30] =	ssyncset.done $0x0  }
0x5f: {  	[sflag:s30] =	ssyncadd.s32 $0xFFFFF000  }
0x60: {  	_ =	swait.ge [sflag:s30], $0x1000  }
0x61: {  	[sflag:s30] =	ssyncset.done $0x0  }
0x62: {  	[sflag:s30] =	ssyncadd.s32 $0xFFFFF000  }
0x63: {  	_ =	swait.ge [sflag:s30], $0x1000  }
0x64: {  	[sflag:s30] =	ssyncset.done $0x0  }
0x65: {  	s4 =	simm.s32 @!p0 $0x7;
	s18 =	simm.s32 $0x0;
	[sflag:s30] =	ssyncadd.s32 $0xFFFFF000  }
0x66: {  	v6 =	vmov s18;
	_ =	swait.ge @!p0 [sflag:s4], $0x4000  }
0x67: {  	v6 =	vshll.u32 v6, $0x3;
	[sflag:s4] =	ssyncset.done @!p0 $0x0  }
0x68: {  	v7 =	vor.u32 v1, v6;
	[sflag:s4] =	ssyncadd.s32 @!p0 $0xFFFFC000;
	s4 =	simm.s32 $0xE200  }
0x69: {  	v9 =	vor.u32 v2, v7;
	v8 =	vld [tilespmem:s4+$0xFFFFE000]  }
0x6a: {  	v11 =	vor.u32 v3, v7;
	v10 =	vld [tilespmem:s4+$0xFFFFF000];
	_ =	sdelay $0x1  }
0x6b: {  	v7 =	vor.u32 v4, v7;
	v6 =	vld [tilespmem:s4+$0x0]  }
0x6c: {  	s19 =	simm.s32 $0x8  }
0x6d: {  	v12 =	vmov s19;
	[tilespmem:v9+s31+$0x0] =	vst.idx.msk $0xffff, v8  }
0x6e: {  	s6 =	simm.s32 $0x10;
	v8 =	vshll.u32 v12, $0x3;
	[tilespmem:v11+s31+$0x0] =	vst.idx.msk $0xffff, v10  }
.LBB2_5:
0x6f: {  	p0 =	sne.s32 s6, $0x7F8  }
0x70: {  	v8 =	vor.u32 v1, v8;
	[tilespmem:v7+s31+$0x0] =	vst.idx.msk $0xffff, v6;
	s4 =	sadd.s32 $0x10, s4;
	s18 =	smov.u32 s6;
	s6 =	sadd.s32 $0x8, s6  }
0x71: {  	v9 =	vld [tilespmem:s4+$0xFFFFE000];
	v10 =	vor.u32 v2, v8  }
0x72: {  	v12 =	vor.u32 v3, v8;
	v11 =	vld [tilespmem:s4+$0xFFFFF000]  }
.Ltmp3:
0x73: {  	v7 =	vor.u32 v4, v8;
	v6 =	vld [tilespmem:s4+$0x0];
	(pc) =	sbr.rel @p0 .LBB2_5-.Ltmp3, $3  }
0x74: {  	_ =	sdelay $0x1  }
0x75: {  	v8 =	vmov s18;
	[tilespmem:v10+s31+$0x0] =	vst.idx.msk $0xffff, v9  }
0x76: {  	v8 =	vshll.u32 v8, $0x3;
	[tilespmem:v12+s31+$0x0] =	vst.idx.msk $0xffff, v11  }
0x77: {  	_ =	sdelay $0x3  }
0x78: {  	v8 =	vor.u32 v1, v8;
	[tilespmem:v7+s31+$0x0] =	vst.idx.msk $0xffff, v6;
	s4 =	sadd.s32 $0x10, s4  }
0x79: {  	v6 =	vld [tilespmem:s4+$0xFFFFE000];
	v7 =	vor.u32 v2, v8  }
0x7a: {  	v9 =	vld [tilespmem:s4+$0xFFFFF000];
	v10 =	vor.u32 v3, v8  }
0x7b: {  	v11 =	vld [tilespmem:s4+$0x0];
	v8 =	vor.u32 v4, v8;
	_ =	sdelay $0x1  }
.Ltmp4:
0x7c: {  	s19 =	sor.u32 s1, s8;
	(pc) =	sbr.rel @p1 .LBB2_8-.Ltmp4, $4  }
0x7d: {  	s4 =	sshrl.u32 s19, $0x1;
	[tilespmem:v7+s31+$0x0] =	vst.idx.msk $0xffff, v6  }
0x7e: {  	s4 =	sadd.s32 s4, s14;
	[tilespmem:v10+s31+$0x0] =	vst.idx.msk $0xffff, v9  }
0x7f: {  	s4 =	sadd.s32 $0x800, s4;
	[tilespmem:v8+s31+$0x0] =	vst.idx.msk $0xffff, v11  }
0x80: {  	[hbm4b:s4+s2] =	stream.linear.scatter [tilespmem:s31], [sflag:$0x7], $0x4000, $0x38;
	[tilespmem:$0x17210] =	vst v63  }
0x81: {  	s1 =	sadd.s32 s1, s17  }
0x82: {  	s1 =	sshrl.u32 s1, $0x3  }
0x83: {  	s4 =	sadd.s32 s3, s1  }
0x84: {  	[tilespmem:s20], [sflag:$0x5] =	stream.linear.gather [hbm4b:s4+s2], $0x1000, $0x38;
	[tilespmem:$0x17210] =	vst v63  }
.Ltmp5:
0x85: {  	_ = 	snop;
	(pc) =	sbr.rel .LBB2_2-.Ltmp5, $4  }
0x86: {  	s4 =	sadd.s32 $0x20000, s4  }
0x87: {  	[tilespmem:s24], [sflag:$0x5] =	stream.linear.gather [hbm4b:s4+s2], $0x1000, $0x38;
	[tilespmem:$0x17210] =	vst v63  }
0x88: {  	s0 =	sadd.s32 $0x1, s0;
	s1 =	sadd.s32 s1, s7  }
0x89: {  	[tilespmem:s25], [sflag:$0x5] =	stream.linear.gather [hbm4b:s1+s2], $0x1000, $0x38;
	[tilespmem:$0x17210] =	vst v63  }
.LBB2_8:
0x8a: {  	s0 =	simm.s32 $0x6  }
0x8b: {  	_ =	swait.ge [sflag:s0], $0x4000  }
0x8c: {  	[sflag:s0] =	ssyncset.done $0x0  }
0x8d: {  	s24 =	simm.s32 $0x7;
	[sflag:s0] =	ssyncadd.s32 $0xFFFFC000  }
0x8e: {  	_ =	swait.ge [sflag:s24], $0x4000  }
0x8f: {  	[sflag:s24] =	ssyncset.done $0x0  }
0x90: {  	[sflag:s24] =	ssyncadd.s32 $0xFFFFC000  }
0x91: {  	[bflag:$0x0] =	sbarrier.arrive $0xFFFF  }
0x92: {  	_ =	swait.ge [sflag:s26], $0x4000  }
0x93: {  	[sflag:s26] =	ssyncset.done $0x0  }
0x94: {  	[sflag:s26] =	ssyncadd.s32 $0xFFFFC000  }
0x95: {  	_ =	swait.ge [sflag:s26], $0x4000  }
0x96: {  	[sflag:s26] =	ssyncset.done $0x0  }
0x97: {  	[sflag:s26] =	ssyncadd.s32 $0xFFFFC000  }
0x98: {  	v6 =	vld [tilespmem:$0x0]  }
0x99: {  	v7 =	vld [tilespmem:$0x4000]  }
0x9a: {  	v8 =	vld [tilespmem:$0x10]  }
0x9b: {  	v9 =	vld [tilespmem:$0x4010]  }
0x9c: {  	v10 =	vld [tilespmem:$0x20]  }
0x9d: {  	v11 =	vld [tilespmem:$0x4020];
	v6 =	vshra.s32 v6, $0x1  }
0x9e: {  	[tilespmem:$0x8000] =	vst v6;
	v6 =	vshra.s32 v7, $0x1;
	v7 =	vld [tilespmem:$0x30]  }
0x9f: {  	v44 =	vld [tilespmem:$0x4030];
	[tilespmem:$0x8100] =	vst v6;
	v6 =	vshra.s32 v8, $0x1  }
0xa0: {  	v45 =	vld [tilespmem:$0x40];
	[tilespmem:$0x8010] =	vst v6;
	v6 =	vshra.s32 v9, $0x1  }
0xa1: {  	v46 =	vld [tilespmem:$0x4040];
	[tilespmem:$0x8110] =	vst v6;
	v6 =	vshra.s32 v10, $0x1  }
0xa2: {  	v47 =	vld [tilespmem:$0x50];
	[tilespmem:$0x8020] =	vst v6;
	v6 =	vshra.s32 v11, $0x1  }
0xa3: {  	[tilespmem:$0x8120] =	vst v6;
	v6 =	vshra.s32 v7, $0x1;
	v7 =	vld [tilespmem:$0x4050]  }
0xa4: {  	v48 =	vld [tilespmem:$0x60];
	[tilespmem:$0x8030] =	vst v6;
	v6 =	vshra.s32 v44, $0x1  }
0xa5: {  	v49 =	vld [tilespmem:$0x4060];
	[tilespmem:$0x8130] =	vst v6;
	v6 =	vshra.s32 v45, $0x1  }
0xa6: {  	v50 =	vld [tilespmem:$0x70];
	[tilespmem:$0x8040] =	vst v6;
	v6 =	vshra.s32 v46, $0x1  }
0xa7: {  	v51 =	vld [tilespmem:$0x4070];
	[tilespmem:$0x8140] =	vst v6;
	v6 =	vshra.s32 v47, $0x1  }
0xa8: {  	[tilespmem:$0x8050] =	vst v6;
	v6 =	vshra.s32 v7, $0x1  }
0xa9: {  	[tilespmem:$0x8150] =	vst v6;
	v6 =	vshra.s32 v48, $0x1  }
0xaa: {  	[tilespmem:$0x8060] =	vst v6;
	v6 =	vshra.s32 v49, $0x1  }
0xab: {  	[tilespmem:$0x8160] =	vst v6;
	v6 =	vshra.s32 v50, $0x1  }
0xac: {  	[tilespmem:$0x8070] =	vst v6;
	v6 =	vshra.s32 v51, $0x1  }
0xad: {  	s19 =	simm.s32 $0x80;
	s25 =	simm.s32 $0x8000;
	[tilespmem:$0x8170] =	vst v6  }
0xae: {  	[tilespmem:s22], [sflag:$0x2] =	stream.indirect.gather [hbm4b:s14+s19], $0x8, s25, s19, $0xb8;
	[tilespmem:$0x17210] =	vst v63  }
0xaf: {  	s26 =	simm.s32 $0x8100  }
0xb0: {  	[tilespmem:s21], [sflag:$0x2] =	stream.indirect.gather [hbm4b:s14+s19], $0x8, s26, s19, $0xb8;
	[tilespmem:$0x17210] =	vst v63  }
0xb1: {  	v6 =	vld [tilespmem:$0x80]  }
0xb2: {  	v7 =	vld [tilespmem:$0x4080]  }
0xb3: {  	v52 =	vld [tilespmem:$0x90]  }
0xb4: {  	v53 =	vld [tilespmem:$0x4090]  }
0xb5: {  	v54 =	vld [tilespmem:$0xA0]  }
0xb6: {  	v55 =	vld [tilespmem:$0x40A0];
	v6 =	vshra.s32 v6, $0x1  }
0xb7: {  	[tilespmem:$0x8080] =	vst v6;
	v6 =	vshra.s32 v7, $0x1;
	v7 =	vld [tilespmem:$0xB0]  }
0xb8: {  	v56 =	vld [tilespmem:$0x40B0];
	[tilespmem:$0x8180] =	vst v6;
	v6 =	vshra.s32 v52, $0x1  }
0xb9: {  	v57 =	vld [tilespmem:$0xC0];
	[tilespmem:$0x8090] =	vst v6;
	v6 =	vshra.s32 v53, $0x1  }
0xba: {  	v58 =	vld [tilespmem:$0x40C0];
	[tilespmem:$0x8190] =	vst v6;
	v6 =	vshra.s32 v54, $0x1  }
0xbb: {  	v59 =	vld [tilespmem:$0xD0];
	[tilespmem:$0x80A0] =	vst v6;
	v6 =	vshra.s32 v55, $0x1  }
0xbc: {  	[tilespmem:$0x81A0] =	vst v6;
	v6 =	vshra.s32 v7, $0x1;
	v7 =	vld [tilespmem:$0x40D0]  }
0xbd: {  	v60 =	vld [tilespmem:$0xE0];
	[tilespmem:$0x80B0] =	vst v6;
	v6 =	vshra.s32 v56, $0x1  }
0xbe: {  	v61 =	vld [tilespmem:$0x40E0];
	[tilespmem:$0x81B0] =	vst v6;
	v6 =	vshra.s32 v57, $0x1  }
0xbf: {  	v62 =	vld [tilespmem:$0xF0];
	[tilespmem:$0x80C0] =	vst v6;
	v6 =	vshra.s32 v58, $0x1  }
0xc0: {  	v63 =	vld [tilespmem:$0x40F0];
	[tilespmem:$0x81C0] =	vst v6;
	v6 =	vshra.s32 v59, $0x1  }
0xc1: {  	[tilespmem:$0x80D0] =	vst v6;
	v6 =	vshra.s32 v7, $0x1  }
0xc2: {  	[tilespmem:$0x81D0] =	vst v6;
	v6 =	vshra.s32 v60, $0x1  }
0xc3: {  	[tilespmem:$0x80E0] =	vst v6;
	v6 =	vshra.s32 v61, $0x1  }
0xc4: {  	[tilespmem:$0x81E0] =	vst v6;
	v6 =	vshra.s32 v62, $0x1  }
0xc5: {  	[tilespmem:$0x80F0] =	vst v6;
	v6 =	vshra.s32 v63, $0x1  }
0xc6: {  	s1 =	simm.s32 $0x0;
	[tilespmem:$0x81F0] =	vst v6  }
0xc7: {  	[tilespmem:s5], [sflag:$0x3] =	stream.indirect.gather [hbm4b:s14+s19], $0x8, s23, s19, $0xb8;
	[tilespmem:$0x17210] =	vst v63  }
0xc8: {  	s0 =	simm.s32 $0x4080;
	s25 =	simm.s32 $0x4000;
	s26 =	simm.s32 $0x0  }
0xc9: {  	[tilespmem:s10], [sflag:$0x3] =	stream.indirect.gather [hbm4b:s14+s19], $0x8, s9, s19, $0xb8;
	[tilespmem:$0x17210] =	vst v63  }
.LBB2_9:
0xca: {  	_ =	swait.ge [sflag:s11], $0x400  }
0xcb: {  	[sflag:s11] =	ssyncset.done $0x0  }
0xcc: {  	[sflag:s11] =	ssyncadd.s32 $0xFFFFFC00  }
0xcd: {  	_ =	swait.ge [sflag:s11], $0x400  }
0xce: {  	[sflag:s11] =	ssyncset.done $0x0  }
0xcf: {  	[sflag:s11] =	ssyncadd.s32 $0xFFFFFC00  }
0xd0: {  	v7 =	vld [tilespmem:s25+$0x0]  }
0xd1: {  	s20 =	sshll.u32 s1, $0x8;
	s18 =	simm.s32 $0x10  }
0xd2: {  	s24 =	simm.s32 $0x0;
	s6 =	smov.u32 s25;
	s4 =	smov.u32 s26;
	v6 =	vld [tilespmem:s26+$0x0]  }
.LBB2_10:
0xd3: {  	p0 =	sne.s32 s18, $0x70;
	v8 =	vmov s24;
	s24 =	smov.u32 s18  }
0xd4: {  	v8 =	vshll.u32 v8, $0x3  }
0xd5: {  	v7 =	vand.u32 $0x1, v7;
	v8 =	vor.u32 v5, v8  }
0xd6: {  	v7 =	vor.u32 v8, v7  }
0xd7: {  	v6 =	vand.u32 $0x1, v6;
	v9 =	vor.u32 $0x2, v7  }
0xd8: {  	v6 =	vor.u32 v8, v6  }
0xd9: {  	v8 =	vor.u32 $0x2, v6  }
0xda: {  	v10 =	vor.u32 $0x4, v7  }
0xdb: {  	v11 =	vor.u32 $0x4, v6;
	v7 =	vld.idx.msk [tilespmem:v7+s21+$0x0], $0xffff  }
0xdc: {  	v9 =	vld.idx.msk [tilespmem:v9+s21+$0x0], $0xffff  }
0xdd: {  	v6 =	vld.idx.msk [tilespmem:v6+s22+$0x0], $0xffff  }
0xde: {  	v8 =	vld.idx.msk [tilespmem:v8+s22+$0x0], $0xffff  }
0xdf: {  	v10 =	vld.idx.msk [tilespmem:v10+s21+$0x0], $0xffff  }
0xe0: {  	v11 =	vld.idx.msk [tilespmem:v11+s22+$0x0], $0xffff;
	_ =	sdelay $0x3  }
0xe1: {  	v6 =	vadd.f32 v7, v6;
	v7 =	vsub.f32 v9, v8;
	_ =	sdelay $0x1  }
0xe2: {  	v6 =	vmul.f32 v6, v6;
	v8 =	vsub.f32 v10, v11;
	v7 =	vmul.f32 v7, v7;
	_ =	sdelay $0x1  }
0xe3: {  	v6 =	vadd.f32 v7, v6;
	v7 =	vmul.f32 v8, v8;
	_ =	sdelay $0x1  }
0xe4: {  	v6 =	vadd.f32 v7, v6;
	_ =	sdelay $0x1  }
0xe5: {  	v6 =	vmax.f32 v6, $1.000000000e-30  }
0xe6: {  	v7 =	vshra.s32 v6, $0x1;
	v8 =	vmul.f32 $5.000000000e-01, v6  }
0xe7: {  	v7 =	vsub.s32 $0x5F3759DF, v7  }
0xe8: {  	v9 =	vmul.f32 v7, v8;
	_ =	sdelay $0x1  }
0xe9: {  	v9 =	vmul.f32 v7, v9;
	_ =	sdelay $0x1  }
0xea: {  	v9 =	vsub.f32 $1.500000000e+00, v9;
	_ =	sdelay $0x1  }
0xeb: {  	v7 =	vmul.f32 v7, v9;
	_ =	sdelay $0x1  }
0xec: {  	v8 =	vmul.f32 v7, v8;
	_ =	sdelay $0x1  }
0xed: {  	v8 =	vmul.f32 v8, v7;
	_ =	sdelay $0x1  }
0xee: {  	v8 =	vsub.f32 $1.500000000e+00, v8  }
0xef: {  	v9 =	vld [tilespmem:$0x17200]  }
0xf0: {  	v7 =	vmul.f32 v8, v7;
	_ =	sdelay $0x1  }
0xf1: {  	v6 =	vmul.f32 v7, v6;
	_ =	sdelay $0x1  }
0xf2: {  	v6 =	vadd.f32 v6, v9  }
.Ltmp6:
0xf3: {  	(pc) =	sbr.rel @p0 .LBB2_10-.Ltmp6, $4  }
0xf4: {  	s6 =	sadd.s32 $0x10, s6;
	[tilespmem:$0x17200] =	vst v6  }
0xf5: {  	v7 =	vld [tilespmem:s6+$0x0]  }
0xf6: {  	s4 =	sadd.s32 $0x10, s4  }
0xf7: {  	s18 =	sadd.s32 $0x10, s18;
	v6 =	vld [tilespmem:s4+$0x0]  }
0xf8: {  	v8 =	vmov s24  }
0xf9: {  	v8 =	vshll.u32 v8, $0x3  }
0xfa: {  	v7 =	vand.u32 $0x1, v7;
	v8 =	vor.u32 v5, v8  }
0xfb: {  	v7 =	vor.u32 v8, v7  }
0xfc: {  	v6 =	vand.u32 $0x1, v6;
	v9 =	vor.u32 $0x2, v7  }
0xfd: {  	v6 =	vor.u32 v8, v6  }
0xfe: {  	v8 =	vor.u32 $0x2, v6  }
0xff: {  	v10 =	vor.u32 $0x4, v7  }
0x100: {  	v11 =	vor.u32 $0x4, v6;
	v7 =	vld.idx.msk [tilespmem:v7+s21+$0x0], $0xffff  }
0x101: {  	v9 =	vld.idx.msk [tilespmem:v9+s21+$0x0], $0xffff  }
0x102: {  	v6 =	vld.idx.msk [tilespmem:v6+s22+$0x0], $0xffff  }
0x103: {  	v8 =	vld.idx.msk [tilespmem:v8+s22+$0x0], $0xffff  }
0x104: {  	v10 =	vld.idx.msk [tilespmem:v10+s21+$0x0], $0xffff  }
0x105: {  	v11 =	vld.idx.msk [tilespmem:v11+s22+$0x0], $0xffff;
	_ =	sdelay $0x2  }
0x106: {  	v6 =	vadd.f32 v7, v6;
	v7 =	vsub.f32 v9, v8;
	_ =	sdelay $0x1  }
0x107: {  	v8 =	vsub.f32 v10, v11;
	v6 =	vmul.f32 v6, v6;
	v7 =	vmul.f32 v7, v7;
	_ =	sdelay $0x1  }
0x108: {  	v6 =	vadd.f32 v7, v6;
	v7 =	vmul.f32 v8, v8;
	_ =	sdelay $0x1  }
0x109: {  	v6 =	vadd.f32 v7, v6;
	_ =	sdelay $0x1  }
0x10a: {  	v6 =	vmax.f32 v6, $1.000000000e-30  }
0x10b: {  	v7 =	vshra.s32 v6, $0x1;
	v8 =	vmul.f32 $5.000000000e-01, v6  }
0x10c: {  	v7 =	vsub.s32 $0x5F3759DF, v7  }
0x10d: {  	v62 =	vmul.f32 v7, v8;
	_ =	sdelay $0x1  }
0x10e: {  	v9 =	vmul.f32 v7, v62;
	_ =	sdelay $0x1  }
0x10f: {  	v9 =	vsub.f32 $1.500000000e+00, v9;
	_ =	sdelay $0x1  }
0x110: {  	v7 =	vmul.f32 v7, v9;
	_ =	sdelay $0x1  }
0x111: {  	v8 =	vmul.f32 v7, v8;
	_ =	sdelay $0x1  }
0x112: {  	v8 =	vmul.f32 v8, v7;
	_ =	sdelay $0x1  }
0x113: {  	v8 =	vsub.f32 $1.500000000e+00, v8  }
0x114: {  	v63 =	vld [tilespmem:$0x17200]  }
0x115: {  	v7 =	vmul.f32 v8, v7;
	_ =	sdelay $0x1  }
0x116: {  	v6 =	vmul.f32 v7, v6;
	_ =	sdelay $0x1  }
0x117: {  	v6 =	vadd.f32 v6, v63;
	_ =	sdelay $0x1  }
0x118: {  	p0 =	seq.s32 s1, $0x3F;
	[tilespmem:$0x17200] =	vst v6  }
0x119: {  	v6 =	vld @!p0 [tilespmem:s20+$0x100];
	_ =	sdelay $0x4  }
0x11a: {  	v6 =	vshra.s32 @!p0 v6, $0x1  }
0x11b: {  	[tilespmem:$0x8000] =	vst @!p0 v6  }
0x11c: {  	v6 =	vld @!p0 [tilespmem:s20+$0x4100];
	_ =	sdelay $0x4  }
0x11d: {  	v6 =	vshra.s32 @!p0 v6, $0x1  }
0x11e: {  	[tilespmem:$0x8100] =	vst @!p0 v6  }
0x11f: {  	v6 =	vld @!p0 [tilespmem:s20+$0x110];
	_ =	sdelay $0x4  }
0x120: {  	v6 =	vshra.s32 @!p0 v6, $0x1  }
0x121: {  	[tilespmem:$0x8010] =	vst @!p0 v6  }
0x122: {  	v6 =	vld @!p0 [tilespmem:s20+$0x4110];
	_ =	sdelay $0x4  }
0x123: {  	v6 =	vshra.s32 @!p0 v6, $0x1  }
0x124: {  	[tilespmem:$0x8110] =	vst @!p0 v6  }
0x125: {  	v6 =	vld @!p0 [tilespmem:s20+$0x120];
	_ =	sdelay $0x4  }
0x126: {  	v6 =	vshra.s32 @!p0 v6, $0x1  }
0x127: {  	[tilespmem:$0x8020] =	vst @!p0 v6  }
0x128: {  	v6 =	vld @!p0 [tilespmem:s20+$0x4120];
	_ =	sdelay $0x4  }
0x129: {  	v6 =	vshra.s32 @!p0 v6, $0x1  }
0x12a: {  	[tilespmem:$0x8120] =	vst @!p0 v6  }
0x12b: {  	v6 =	vld @!p0 [tilespmem:s20+$0x130];
	_ =	sdelay $0x4  }
0x12c: {  	v6 =	vshra.s32 @!p0 v6, $0x1  }
0x12d: {  	[tilespmem:$0x8030] =	vst @!p0 v6  }
0x12e: {  	v6 =	vld @!p0 [tilespmem:s20+$0x4130];
	_ =	sdelay $0x4  }
0x12f: {  	v6 =	vshra.s32 @!p0 v6, $0x1  }
0x130: {  	[tilespmem:$0x8130] =	vst @!p0 v6  }
0x131: {  	v6 =	vld @!p0 [tilespmem:s20+$0x140];
	_ =	sdelay $0x4  }
0x132: {  	v6 =	vshra.s32 @!p0 v6, $0x1  }
0x133: {  	[tilespmem:$0x8040] =	vst @!p0 v6  }
0x134: {  	v6 =	vld @!p0 [tilespmem:s20+$0x4140];
	_ =	sdelay $0x4  }
0x135: {  	v6 =	vshra.s32 @!p0 v6, $0x1  }
0x136: {  	[tilespmem:$0x8140] =	vst @!p0 v6  }
0x137: {  	v6 =	vld @!p0 [tilespmem:s20+$0x150];
	_ =	sdelay $0x4  }
0x138: {  	v6 =	vshra.s32 @!p0 v6, $0x1  }
0x139: {  	[tilespmem:$0x8050] =	vst @!p0 v6  }
0x13a: {  	v6 =	vld @!p0 [tilespmem:s20+$0x4150];
	_ =	sdelay $0x4  }
0x13b: {  	v6 =	vshra.s32 @!p0 v6, $0x1  }
0x13c: {  	[tilespmem:$0x8150] =	vst @!p0 v6  }
0x13d: {  	v6 =	vld @!p0 [tilespmem:s20+$0x160];
	_ =	sdelay $0x4  }
0x13e: {  	v6 =	vshra.s32 @!p0 v6, $0x1  }
0x13f: {  	[tilespmem:$0x8060] =	vst @!p0 v6  }
0x140: {  	v6 =	vld @!p0 [tilespmem:s20+$0x4160];
	_ =	sdelay $0x4  }
0x141: {  	v6 =	vshra.s32 @!p0 v6, $0x1  }
0x142: {  	[tilespmem:$0x8160] =	vst @!p0 v6  }
0x143: {  	v6 =	vld @!p0 [tilespmem:s20+$0x170];
	_ =	sdelay $0x4  }
0x144: {  	v6 =	vshra.s32 @!p0 v6, $0x1  }
0x145: {  	[tilespmem:$0x8070] =	vst @!p0 v6  }
0x146: {  	v6 =	vld @!p0 [tilespmem:s20+$0x4170];
	_ =	sdelay $0x4  }
0x147: {  	v6 =	vshra.s32 @!p0 v6, $0x1  }
0x148: {  	s4 =	simm.s32 @!p0 $0x80;
	s6 =	simm.s32 @!p0 $0x8000;
	s18 =	simm.s32 @!p0 $0x8200;
	[tilespmem:$0x8170] =	vst @!p0 v6  }
0x149: {  	[tilespmem:s18], [sflag:$0x2] =	stream.indirect.gather @!p0 [hbm4b:s14+s4], $0x8, s6, s4, $0xb8;
	[tilespmem:$0x17210] =	vst v63  }
0x14a: {  	s6 =	simm.s32 @!p0 $0x8100;
	s18 =	simm.s32 @!p0 $0x8A00  }
0x14b: {  	[tilespmem:s18], [sflag:$0x2] =	stream.indirect.gather @!p0 [hbm4b:s14+s4], $0x8, s6, s4, $0xb8;
	[tilespmem:$0x17210] =	vst v63  }
0x14c: {  	_ =	swait.ge [sflag:s12], $0x400  }
0x14d: {  	[sflag:s12] =	ssyncset.done $0x0  }
0x14e: {  	[sflag:s12] =	ssyncadd.s32 $0xFFFFFC00  }
0x14f: {  	_ =	swait.ge [sflag:s12], $0x400  }
0x150: {  	[sflag:s12] =	ssyncset.done $0x0  }
0x151: {  	[sflag:s12] =	ssyncadd.s32 $0xFFFFFC00  }
0x152: {  	v7 =	vld [tilespmem:s0+$0x0]  }
0x153: {  	s24 =	simm.s32 $0x10  }
0x154: {  	s18 =	simm.s32 $0x0;
	s6 =	smov.u32 s0;
	s4 =	smov.u32 s19;
	v6 =	vld [tilespmem:s19+$0x0]  }
.LBB2_12:
0x155: {  	p1 =	sne.s32 s24, $0x70;
	v8 =	vmov s18;
	s18 =	smov.u32 s24  }
0x156: {  	v8 =	vshll.u32 v8, $0x3  }
0x157: {  	v7 =	vand.u32 $0x1, v7;
	v8 =	vor.u32 v5, v8  }
0x158: {  	v7 =	vor.u32 v8, v7  }
0x159: {  	v6 =	vand.u32 $0x1, v6;
	v9 =	vor.u32 $0x2, v7  }
0x15a: {  	v6 =	vor.u32 v8, v6  }
0x15b: {  	v8 =	vor.u32 $0x2, v6  }
0x15c: {  	v10 =	vor.u32 $0x4, v7  }
0x15d: {  	v11 =	vor.u32 $0x4, v6;
	v7 =	vld.idx.msk [tilespmem:v7+s10+$0x0], $0xffff  }
0x15e: {  	v9 =	vld.idx.msk [tilespmem:v9+s10+$0x0], $0xffff  }
0x15f: {  	v6 =	vld.idx.msk [tilespmem:v6+s5+$0x0], $0xffff  }
0x160: {  	v8 =	vld.idx.msk [tilespmem:v8+s5+$0x0], $0xffff  }
0x161: {  	v10 =	vld.idx.msk [tilespmem:v10+s10+$0x0], $0xffff  }
0x162: {  	v11 =	vld.idx.msk [tilespmem:v11+s5+$0x0], $0xffff;
	_ =	sdelay $0x3  }
0x163: {  	v6 =	vadd.f32 v7, v6;
	v7 =	vsub.f32 v9, v8;
	_ =	sdelay $0x1  }
0x164: {  	v6 =	vmul.f32 v6, v6;
	v8 =	vsub.f32 v10, v11;
	v7 =	vmul.f32 v7, v7;
	_ =	sdelay $0x1  }
0x165: {  	v6 =	vadd.f32 v7, v6;
	v7 =	vmul.f32 v8, v8;
	_ =	sdelay $0x1  }
0x166: {  	v6 =	vadd.f32 v7, v6;
	_ =	sdelay $0x1  }
0x167: {  	v6 =	vmax.f32 v6, $1.000000000e-30  }
0x168: {  	v7 =	vshra.s32 v6, $0x1;
	v8 =	vmul.f32 $5.000000000e-01, v6  }
0x169: {  	v7 =	vsub.s32 $0x5F3759DF, v7  }
0x16a: {  	v9 =	vmul.f32 v7, v8;
	_ =	sdelay $0x1  }
0x16b: {  	v9 =	vmul.f32 v7, v9;
	_ =	sdelay $0x1  }
0x16c: {  	v9 =	vsub.f32 $1.500000000e+00, v9;
	_ =	sdelay $0x1  }
0x16d: {  	v7 =	vmul.f32 v7, v9;
	_ =	sdelay $0x1  }
0x16e: {  	v8 =	vmul.f32 v7, v8;
	_ =	sdelay $0x1  }
0x16f: {  	v8 =	vmul.f32 v8, v7;
	_ =	sdelay $0x1  }
0x170: {  	v8 =	vsub.f32 $1.500000000e+00, v8  }
0x171: {  	v9 =	vld [tilespmem:$0x17200]  }
0x172: {  	v7 =	vmul.f32 v8, v7;
	_ =	sdelay $0x1  }
0x173: {  	v6 =	vmul.f32 v7, v6;
	_ =	sdelay $0x1  }
0x174: {  	v6 =	vadd.f32 v6, v9  }
.Ltmp7:
0x175: {  	(pc) =	sbr.rel @p1 .LBB2_12-.Ltmp7, $4  }
0x176: {  	s6 =	sadd.s32 $0x10, s6;
	[tilespmem:$0x17200] =	vst v6  }
0x177: {  	v7 =	vld [tilespmem:s6+$0x0]  }
0x178: {  	s4 =	sadd.s32 $0x10, s4  }
0x179: {  	s24 =	sadd.s32 $0x10, s24;
	v6 =	vld [tilespmem:s4+$0x0]  }
0x17a: {  	v8 =	vmov s18  }
0x17b: {  	v8 =	vshll.u32 v8, $0x3  }
0x17c: {  	v7 =	vand.u32 $0x1, v7;
	v8 =	vor.u32 v5, v8  }
0x17d: {  	v7 =	vor.u32 v8, v7  }
0x17e: {  	v6 =	vand.u32 $0x1, v6;
	v9 =	vor.u32 $0x2, v7  }
0x17f: {  	v6 =	vor.u32 v8, v6  }
0x180: {  	v8 =	vor.u32 $0x2, v6  }
0x181: {  	v10 =	vor.u32 $0x4, v7  }
0x182: {  	v11 =	vor.u32 $0x4, v6;
	v7 =	vld.idx.msk [tilespmem:v7+s10+$0x0], $0xffff  }
0x183: {  	v9 =	vld.idx.msk [tilespmem:v9+s10+$0x0], $0xffff  }
0x184: {  	v6 =	vld.idx.msk [tilespmem:v6+s5+$0x0], $0xffff  }
0x185: {  	v8 =	vld.idx.msk [tilespmem:v8+s5+$0x0], $0xffff  }
0x186: {  	v10 =	vld.idx.msk [tilespmem:v10+s10+$0x0], $0xffff  }
0x187: {  	v11 =	vld.idx.msk [tilespmem:v11+s5+$0x0], $0xffff;
	_ =	sdelay $0x2  }
0x188: {  	v6 =	vadd.f32 v7, v6;
	v7 =	vsub.f32 v9, v8;
	_ =	sdelay $0x1  }
0x189: {  	v60 =	vsub.f32 v10, v11;
	v6 =	vmul.f32 v6, v6;
	v7 =	vmul.f32 v7, v7;
	_ =	sdelay $0x1  }
0x18a: {  	v6 =	vadd.f32 v7, v6;
	v7 =	vmul.f32 v60, v60;
	_ =	sdelay $0x1  }
0x18b: {  	v6 =	vadd.f32 v7, v6;
	_ =	sdelay $0x1  }
0x18c: {  	v6 =	vmax.f32 v6, $1.000000000e-30  }
0x18d: {  	v7 =	vshra.s32 v6, $0x1;
	v61 =	vmul.f32 $5.000000000e-01, v6  }
0x18e: {  	v7 =	vsub.s32 $0x5F3759DF, v7  }
0x18f: {  	v62 =	vmul.f32 v7, v61;
	_ =	sdelay $0x1  }
0x190: {  	v9 =	vmul.f32 v7, v62;
	_ =	sdelay $0x1  }
0x191: {  	v9 =	vsub.f32 $1.500000000e+00, v9;
	_ =	sdelay $0x1  }
0x192: {  	v7 =	vmul.f32 v7, v9;
	_ =	sdelay $0x1  }
0x193: {  	v8 =	vmul.f32 v7, v61;
	_ =	sdelay $0x1  }
0x194: {  	v8 =	vmul.f32 v8, v7;
	_ =	sdelay $0x1  }
0x195: {  	v8 =	vsub.f32 $1.500000000e+00, v8  }
0x196: {  	v63 =	vld [tilespmem:$0x17200]  }
0x197: {  	v7 =	vmul.f32 v8, v7;
	_ =	sdelay $0x1  }
.Ltmp8:
0x198: {  	v6 =	vmul.f32 v7, v6;
	(pc) =	sbr.rel @p0 .LBB2_15-.Ltmp8, $3  }
0x199: {  	_ = 	snop  }
0x19a: {  	v6 =	vadd.f32 v6, v63;
	_ =	sdelay $0x1  }
0x19b: {  	[tilespmem:$0x17200] =	vst v6  }
0x19c: {  	v6 =	vld [tilespmem:s20+$0x180];
	_ =	sdelay $0x4  }
0x19d: {  	v6 =	vshra.s32 v6, $0x1  }
0x19e: {  	[tilespmem:$0x8080] =	vst v6  }
0x19f: {  	v6 =	vld [tilespmem:s20+$0x4180];
	_ =	sdelay $0x4  }
0x1a0: {  	v6 =	vshra.s32 v6, $0x1  }
0x1a1: {  	[tilespmem:$0x8180] =	vst v6  }
0x1a2: {  	v6 =	vld [tilespmem:s20+$0x190];
	_ =	sdelay $0x4  }
0x1a3: {  	v6 =	vshra.s32 v6, $0x1  }
0x1a4: {  	[tilespmem:$0x8090] =	vst v6  }
0x1a5: {  	v6 =	vld [tilespmem:s20+$0x4190];
	_ =	sdelay $0x4  }
0x1a6: {  	v6 =	vshra.s32 v6, $0x1  }
0x1a7: {  	[tilespmem:$0x8190] =	vst v6  }
0x1a8: {  	v6 =	vld [tilespmem:s20+$0x1A0];
	_ =	sdelay $0x4  }
0x1a9: {  	v6 =	vshra.s32 v6, $0x1  }
0x1aa: {  	[tilespmem:$0x80A0] =	vst v6  }
0x1ab: {  	v6 =	vld [tilespmem:s20+$0x41A0];
	_ =	sdelay $0x4  }
0x1ac: {  	v6 =	vshra.s32 v6, $0x1  }
0x1ad: {  	[tilespmem:$0x81A0] =	vst v6  }
0x1ae: {  	v6 =	vld [tilespmem:s20+$0x1B0];
	_ =	sdelay $0x4  }
0x1af: {  	v6 =	vshra.s32 v6, $0x1  }
0x1b0: {  	[tilespmem:$0x80B0] =	vst v6  }
0x1b1: {  	v6 =	vld [tilespmem:s20+$0x41B0];
	_ =	sdelay $0x4  }
0x1b2: {  	v6 =	vshra.s32 v6, $0x1  }
0x1b3: {  	[tilespmem:$0x81B0] =	vst v6  }
0x1b4: {  	v6 =	vld [tilespmem:s20+$0x1C0];
	_ =	sdelay $0x4  }
0x1b5: {  	v6 =	vshra.s32 v6, $0x1  }
0x1b6: {  	[tilespmem:$0x80C0] =	vst v6  }
0x1b7: {  	v6 =	vld [tilespmem:s20+$0x41C0];
	_ =	sdelay $0x4  }
0x1b8: {  	v6 =	vshra.s32 v6, $0x1  }
0x1b9: {  	[tilespmem:$0x81C0] =	vst v6  }
0x1ba: {  	v6 =	vld [tilespmem:s20+$0x1D0];
	_ =	sdelay $0x4  }
0x1bb: {  	v6 =	vshra.s32 v6, $0x1  }
0x1bc: {  	[tilespmem:$0x80D0] =	vst v6  }
0x1bd: {  	v6 =	vld [tilespmem:s20+$0x41D0];
	_ =	sdelay $0x4  }
0x1be: {  	v6 =	vshra.s32 v6, $0x1  }
0x1bf: {  	[tilespmem:$0x81D0] =	vst v6  }
0x1c0: {  	v6 =	vld [tilespmem:s20+$0x1E0];
	_ =	sdelay $0x4  }
0x1c1: {  	v6 =	vshra.s32 v6, $0x1  }
0x1c2: {  	[tilespmem:$0x80E0] =	vst v6  }
0x1c3: {  	v6 =	vld [tilespmem:s20+$0x41E0];
	_ =	sdelay $0x4  }
0x1c4: {  	v6 =	vshra.s32 v6, $0x1  }
0x1c5: {  	[tilespmem:$0x81E0] =	vst v6  }
0x1c6: {  	v6 =	vld [tilespmem:s20+$0x1F0];
	_ =	sdelay $0x4  }
0x1c7: {  	v6 =	vshra.s32 v6, $0x1  }
0x1c8: {  	[tilespmem:$0x80F0] =	vst v6  }
0x1c9: {  	v6 =	vld [tilespmem:s20+$0x41F0];
	_ =	sdelay $0x4  }
.Ltmp9:
0x1ca: {  	v6 =	vshra.s32 v6, $0x1;
	(pc) =	sbr.rel .LBB2_9-.Ltmp9, $4  }
0x1cb: {  	s1 =	sadd.s32 $0x1, s1;
	s25 =	sadd.s32 $0x100, s25;
	[tilespmem:$0x81F0] =	vst v6  }
0x1cc: {  	[tilespmem:s5], [sflag:$0x3] =	stream.indirect.gather [hbm4b:s14+s13], $0x8, s23, s13, $0xb8;
	[tilespmem:$0x17210] =	vst v63  }
0x1cd: {  	s26 =	sadd.s32 $0x100, s26;
	s19 =	sadd.s32 $0x100, s19;
	s0 =	sadd.s32 $0x100, s0  }
0x1ce: {  	[tilespmem:s10], [sflag:$0x3] =	stream.indirect.gather [hbm4b:s14+s13], $0x8, s9, s13, $0xb8;
	[tilespmem:$0x17210] =	vst v63  }
.LBB2_16:
0x1cf: {  	_ =	sfence.sel $0x180000  }
0x1d0: {  	[bflag:$0x0] =	sbarrier.arrive $0xFFFF  }
0x1d1: {  	_ =	strace $0x90000047  }
0x1d2: {  	s0 =	stileid.u32;
	[bflag:$0x2] =	sbarrier.arrive $0xFFFF  }
0x1d3: {  	p0 =	sne.s32 s0, $0x0;
	s0 =	rddreg [dreg:$0x1]  }
0x1d4: {  	s0 =	sadd.s32 @!p0 $0x100000, s0  }
0x1d5: {  	[sflag:s0] =	ssyncadd.tile.s32 @!p0 $0x1;
	_ =	shalt  }
.Lfunc_end2:
_tile_overlayer_lowered:
.L_overlay_start_2:
0x1d6: {  	(tag) =	ssettag $0x2  }
0x1d7: {  	s0 =	rddreg [dreg:$0x0];
	s2 =	stileid.u32  }
0x1d8: {  	s1 =	rddreg [dreg:$0x1];
	p0 =	sne.s32 s2, $0x0  }
0x1d9: {  	s3 =	rddreg [dreg:$0x2];
	[bflag:$0x3] =	sbarrier.arrive $0xFFFF;
	s2 =	simm.s32 @!p0 $0x1C08  }
0x1da: {  	[timem:s3], [sflag:s2] =	dma.local @!p0 [hbm:s0], s1  }
0x1db: {  	s0 =	simm.s32 @!p0 $0x8  }
0x1dc: {  	_ =	swait.ge @!p0 [sflag:s0], s1  }
0x1dd: {  	s1 =	ssub.s32 @!p0 $0x0, s1;
	[sflag:s0] =	ssyncset.done @!p0 $0x0  }
0x1de: {  	[sflag:s0] =	ssyncadd.s32 @!p0 s1  }
0x1df: {  	[bflag:$0x3] =	sbarrier.arrive $0xFFFF  }
0x1e0: {  	_ =	shalt  }

</sc_bundles>
